<compile_context>
chip_gen: v7x
topology: tpu7x:2x2x1
jax: 0.10.2.dev20260603
libtpu: 0.0.44.dev20260713+nightly
codegen_flags: <defaults>
</compile_context>

<pallas_src>
import jax
import jax.numpy as jnp
from jax import lax
from jax.experimental import pallas as pl
from jax.experimental.pallas import tpu as pltpu
from jax.experimental.pallas import tpu_sc as plsc

VOCAB = 1000000
HIDDEN = 64
MAX_POS = 512
BATCH = 4096
SEQ = 200
EPS = 1e-12

NC = 2
NS = 16
NW = NC * NS
NTOK = BATCH * SEQ
TPW = NTOK // NW
CHUNK = 512
NCHUNK = TPW // CHUNK
IDX_W = 128
NSUB = CHUNK // IDX_W


def _rsqrt_newton(v):
    i = lax.bitcast_convert_type(v, jnp.int32)
    i = jnp.int32(0x5F3759DF) - lax.shift_right_arithmetic(i, 1)
    y = lax.bitcast_convert_type(i, jnp.float32)
    half = v * 0.5
    for _ in range(3):
        y = y * (1.5 - half * y * y)
    return y


def _sc_body(wid_hbm, pid_hbm, wtab_hbm, ptab_hbm, gam_hbm, bet_hbm, out_hbm,
             widx, pidx, wrows, prows, obuf, gbuf, bbuf, sem, semi):
    w = lax.axis_index("s") * NC + lax.axis_index("c")
    base_row = w * (TPW // IDX_W)

    pltpu.sync_copy(gam_hbm, gbuf)
    pltpu.sync_copy(bet_hbm, bbuf)
    gvs = [gbuf[pl.ds(ci * 16, 16)] for ci in range(HIDDEN // 16)]
    bvs = [bbuf[pl.ds(ci * 16, 16)] for ci in range(HIDDEN // 16)]

    lane = lax.iota(jnp.int32, 16)
    perms = [lax.bitwise_xor(lane, jnp.int32(1 << k)) for k in range(4)]

    def chunk_body(c, carry):
        r0 = base_row + c * NSUB
        t0 = w * TPW + c * CHUNK
        cpi1 = pltpu.async_copy(wid_hbm.at[pl.ds(r0, NSUB)], widx, semi)
        cpi2 = pltpu.async_copy(pid_hbm.at[pl.ds(r0, NSUB)], pidx, semi)
        cpi1.wait()
        cpi2.wait()
        cps = []
        for j in range(NSUB):
            cps.append(pltpu.async_copy(
                wtab_hbm.at[widx.at[j]],
                wrows.at[pl.ds(j * IDX_W, IDX_W)], sem))
            cps.append(pltpu.async_copy(
                ptab_hbm.at[pidx.at[j]],
                prows.at[pl.ds(j * IDX_W, IDX_W)], sem))
        for cp in cps:
            cp.wait()

        def tok_body(t, carry2):
            xs = []
            for ci in range(HIDDEN // 16):
                xs.append(wrows[t, pl.ds(ci * 16, 16)] +
                          prows[t, pl.ds(ci * 16, 16)])
            acc = (xs[0] + xs[1]) + (xs[2] + xs[3])
            sq = xs[0] * xs[0]
            for ci in range(1, HIDDEN // 16):
                sq = sq + xs[ci] * xs[ci]
            for pm in perms:
                acc = acc + acc.at[pm].get(mode="promise_in_bounds")
                sq = sq + sq.at[pm].get(mode="promise_in_bounds")
            mean = acc * (1.0 / HIDDEN)
            var = sq * (1.0 / HIDDEN) - mean * mean
            inv = _rsqrt_newton(var + EPS)
            for ci in range(HIDDEN // 16):
                obuf[t, pl.ds(ci * 16, 16)] = (
                    (xs[ci] - mean) * inv * gvs[ci] + bvs[ci])
            return carry2

        lax.fori_loop(0, CHUNK, tok_body, 0)
        pltpu.sync_copy(obuf, out_hbm.at[pl.ds(t0, CHUNK)])
        return carry

    lax.fori_loop(0, NCHUNK, chunk_body, 0)


@jax.jit
def _run(word_ids2d, posi_ids2d, word_table, posi_table, ln_gamma, ln_beta):
    mesh = plsc.VectorSubcoreMesh(core_axis_name="c", subcore_axis_name="s")
    f = pl.kernel(
        _sc_body,
        out_type=jax.ShapeDtypeStruct((NTOK, HIDDEN), jnp.float32),
        mesh=mesh,
        compiler_params=pltpu.CompilerParams(use_tc_tiling_on_sc=False),
        scratch_types=[
            pltpu.VMEM((NSUB, IDX_W), jnp.int32),
            pltpu.VMEM((NSUB, IDX_W), jnp.int32),
            pltpu.VMEM((CHUNK, HIDDEN), jnp.float32),
            pltpu.VMEM((CHUNK, HIDDEN), jnp.float32),
            pltpu.VMEM((CHUNK, HIDDEN), jnp.float32),
            pltpu.VMEM((HIDDEN,), jnp.float32),
            pltpu.VMEM((HIDDEN,), jnp.float32),
            pltpu.SemaphoreType.DMA,
            pltpu.SemaphoreType.DMA,
        ],
    )
    return f(word_ids2d, posi_ids2d, word_table, posi_table, ln_gamma, ln_beta)


def kernel(word_ids, posi_ids, word_table, posi_table, ln_gamma, ln_beta):
    wid2 = word_ids.reshape(NTOK // IDX_W, IDX_W).astype(jnp.int32)
    pid2 = posi_ids.reshape(NTOK // IDX_W, IDX_W).astype(jnp.int32)
    out = _run(wid2, pid2, word_table, posi_table, ln_gamma, ln_beta)
    return out.reshape(BATCH, SEQ, HIDDEN)

# --- scband reference (transcript-rebuilt; emitter-appended) ---
"""Pipeline reference for scband-bert-embeddings-49589692399690 (READ-ONLY COPY).

The authoritative reference and input builder live on the scoring server;
editing this copy changes nothing except your own understanding.
"""

import jax, jax.numpy as jnp
import numpy as np

VOCAB = 1000000
HIDDEN = 64
MAX_POS = 512
BATCH = 4096
SEQ = 200
EPS = 1e-12


def _init_posi_embedding(max_position_embedding, hidden_size):
    pos = np.arange(max_position_embedding, dtype=np.float32)[:, None]
    idx = np.arange(hidden_size, dtype=np.float32)[None, :]
    angle = pos / np.power(10000.0, 2.0 * idx / hidden_size)
    table = np.where((np.arange(hidden_size)[None, :] % 2) == 0,
                     np.sin(angle), np.cos(angle)).astype(np.float32)
    return jnp.asarray(table)


def setup_inputs(seed: int = 0) -> dict:
    key = jax.random.key(seed)
    k1, k2, k3 = jax.random.split(key, 3)
    word_ids = jax.random.randint(k1, (BATCH, SEQ), 0, VOCAB, dtype=jnp.int64 if jax.config.jax_enable_x64 else jnp.int32)
    posi_ids = jax.random.randint(k2, (BATCH, SEQ), 0, MAX_POS, dtype=jnp.int64 if jax.config.jax_enable_x64 else jnp.int32)
    word_table = jax.random.normal(k3, (VOCAB, HIDDEN), dtype=jnp.float32) * 0.02
    posi_table = _init_posi_embedding(MAX_POS, HIDDEN)
    ln_gamma = jnp.ones((HIDDEN,), dtype=jnp.float32)
    ln_beta = jnp.zeros((HIDDEN,), dtype=jnp.float32)
    return {"word_ids": word_ids, "posi_ids": posi_ids,
            "word_table": word_table, "posi_table": posi_table,
            "ln_gamma": ln_gamma, "ln_beta": ln_beta}


def _layer_norm(x, gamma, beta, eps=EPS):
    mean = jnp.mean(x, axis=-1, keepdims=True)
    var = jnp.mean(jnp.square(x - mean), axis=-1, keepdims=True)
    return (x - mean) / jnp.sqrt(var + eps) * gamma + beta


def reference(word_ids, posi_ids, word_table, posi_table, ln_gamma, ln_beta):
    # word embedding lookup (gather)
    embeddings = jnp.take(word_table, word_ids, axis=0)
    # position embedding lookup (gather) and add
    posi_embeddings = jnp.take(posi_table, posi_ids, axis=0)
    embeddings = embeddings + posi_embeddings
    # LayerNorm (eps=1e-12); dropout is identity at inference
    embeddings = _layer_norm(embeddings, ln_gamma, ln_beta)
    return embeddings

if __name__ == "__main__":
    import jax
    _d = setup_inputs()
    print(jax.jit(kernel)(*tuple(_d.values())))

</pallas_src>

<mosaic_0001>
#map = affine_map<(d0, d1) -> (0, 0)>
#map1 = affine_map<(d0, d1) -> (0)>
module attributes {stable_mosaic.version = 14 : i64} {
  func.func @_sc_body(%arg0: i32, %arg1: i32, %arg2: memref<6400x128xi32, #tpu.memory_space<hbm>>, %arg3: memref<6400x128xi32, #tpu.memory_space<hbm>>, %arg4: memref<1000000x64xf32, #tpu.memory_space<hbm>>, %arg5: memref<512x64xf32, #tpu.memory_space<hbm>>, %arg6: memref<64xf32, #tpu.memory_space<hbm>>, %arg7: memref<64xf32, #tpu.memory_space<hbm>>, %arg8: memref<819200x64xf32, #tpu.memory_space<hbm>>, %arg9: memref<4x128xi32, #tpu.memory_space<vmem>>, %arg10: memref<4x128xi32, #tpu.memory_space<vmem>>, %arg11: memref<512x64xf32, #tpu.memory_space<vmem>>, %arg12: memref<512x64xf32, #tpu.memory_space<vmem>>, %arg13: memref<512x64xf32, #tpu.memory_space<vmem>>, %arg14: memref<64xf32, #tpu.memory_space<vmem>>, %arg15: memref<64xf32, #tpu.memory_space<vmem>>, %arg16: memref<!tpu.dma_semaphore, #tpu.memory_space<semaphore_mem>>, %arg17: memref<!tpu.dma_semaphore, #tpu.memory_space<semaphore_mem>>) attributes {dimension_semantics = [#tpu.dimension_semantics<core_parallel>, #tpu.dimension_semantics<subcore_parallel>], iteration_bounds = array<i64: 2, 16>, scalar_prefetch = 0 : i64, scratch_operands = 9 : i64, tpu.core_type = #tpu.core_type<sc_vector_subcore>, window_params = [{transform_indices = #map}, {transform_indices = #map}, {transform_indices = #map}, {transform_indices = #map}, {transform_indices = #map1}, {transform_indices = #map1}, {transform_indices = #map}]} {
    %mul3A = arith.constant 2 : i32
    %mul3A_0 = arith.muli %arg1, %mul3A : i32
    %add3A = arith.addi %mul3A_0, %arg0 : i32
    %mul3A_1 = arith.constant 200 : i32
    %mul3A_2 = arith.muli %add3A, %mul3A_1 : i32
    "tpu.region"() ({
      %run_scoped3A = tpu.sem_alloc : memref<!tpu.dma_semaphore, #tpu.memory_space<semaphore_mem>>
      tpu.enqueue_dma source(%arg6 : memref<64xf32, #tpu.memory_space<hbm>>) target(%arg14 : memref<64xf32, #tpu.memory_space<vmem>>) target_semaphore(%run_scoped3A : memref<!tpu.dma_semaphore, #tpu.memory_space<semaphore_mem>>)
      tpu.wait_dma2 semaphore(%run_scoped3A : memref<!tpu.dma_semaphore, #tpu.memory_space<semaphore_mem>>) src(%arg6 : memref<64xf32, #tpu.memory_space<hbm>>) dst(%arg14 : memref<64xf32, #tpu.memory_space<vmem>>)
      tpu.yield
    }) : () -> ()
    "tpu.region"() ({
      %run_scoped3A = tpu.sem_alloc : memref<!tpu.dma_semaphore, #tpu.memory_space<semaphore_mem>>
      tpu.enqueue_dma source(%arg7 : memref<64xf32, #tpu.memory_space<hbm>>) target(%arg15 : memref<64xf32, #tpu.memory_space<vmem>>) target_semaphore(%run_scoped3A : memref<!tpu.dma_semaphore, #tpu.memory_space<semaphore_mem>>)
      tpu.wait_dma2 semaphore(%run_scoped3A : memref<!tpu.dma_semaphore, #tpu.memory_space<semaphore_mem>>) src(%arg7 : memref<64xf32, #tpu.memory_space<hbm>>) dst(%arg15 : memref<64xf32, #tpu.memory_space<vmem>>)
      tpu.yield
    }) : () -> ()
    %get3A = arith.constant 0 : index
    %get3A_3 = tpu.vector_load %arg14[%get3A] {strides = array<i32>} : memref<64xf32, #tpu.memory_space<vmem>>, vector<16xf32>,
    %get3A_4 = vector.shape_cast %get3A_3 : vector<16xf32> to vector<16xf32>
    %get3A_5 = arith.constant 16 : index
    %get3A_6 = tpu.vector_load %arg14[%get3A_5] {strides = array<i32>} : memref<64xf32, #tpu.memory_space<vmem>>, vector<16xf32>,
    %get3A_7 = vector.shape_cast %get3A_6 : vector<16xf32> to vector<16xf32>
    %get3A_8 = arith.constant 32 : index
    %get3A_9 = tpu.vector_load %arg14[%get3A_8] {strides = array<i32>} : memref<64xf32, #tpu.memory_space<vmem>>, vector<16xf32>,
    %get3A_10 = vector.shape_cast %get3A_9 : vector<16xf32> to vector<16xf32>
    %get3A_11 = arith.constant 48 : index
    %get3A_12 = tpu.vector_load %arg14[%get3A_11] {strides = array<i32>} : memref<64xf32, #tpu.memory_space<vmem>>, vector<16xf32>,
    %get3A_13 = vector.shape_cast %get3A_12 : vector<16xf32> to vector<16xf32>
    %get3A_14 = arith.constant 0 : index
    %get3A_15 = tpu.vector_load %arg15[%get3A_14] {strides = array<i32>} : memref<64xf32, #tpu.memory_space<vmem>>, vector<16xf32>,
    %get3A_16 = vector.shape_cast %get3A_15 : vector<16xf32> to vector<16xf32>
    %get3A_17 = arith.constant 16 : index
    %get3A_18 = tpu.vector_load %arg15[%get3A_17] {strides = array<i32>} : memref<64xf32, #tpu.memory_space<vmem>>, vector<16xf32>,
    %get3A_19 = vector.shape_cast %get3A_18 : vector<16xf32> to vector<16xf32>
    %get3A_20 = arith.constant 32 : index
    %get3A_21 = tpu.vector_load %arg15[%get3A_20] {strides = array<i32>} : memref<64xf32, #tpu.memory_space<vmem>>, vector<16xf32>,
    %get3A_22 = vector.shape_cast %get3A_21 : vector<16xf32> to vector<16xf32>
    %get3A_23 = arith.constant 48 : index
    %get3A_24 = tpu.vector_load %arg15[%get3A_23] {strides = array<i32>} : memref<64xf32, #tpu.memory_space<vmem>>, vector<16xf32>,
    %get3A_25 = vector.shape_cast %get3A_24 : vector<16xf32> to vector<16xf32>
    %iota3A = tpu.iota {dimensions = array<i32: 0>} : vector<16xi32>
    %xor3A = arith.constant 1 : i32
    %xor3A_26 = vector.broadcast %xor3A : i32 to vector<16xi32>
    %xor3A_27 = arith.xori %iota3A, %xor3A_26 : vector<16xi32>
    %xor3A_28 = arith.constant 2 : i32
    %xor3A_29 = vector.broadcast %xor3A_28 : i32 to vector<16xi32>
    %xor3A_30 = arith.xori %iota3A, %xor3A_29 : vector<16xi32>
    %xor3A_31 = arith.constant 4 : i32
    %xor3A_32 = vector.broadcast %xor3A_31 : i32 to vector<16xi32>
    %xor3A_33 = arith.xori %iota3A, %xor3A_32 : vector<16xi32>
    %xor3A_34 = arith.constant 8 : i32
    %xor3A_35 = vector.broadcast %xor3A_34 : i32 to vector<16xi32>
    %xor3A_36 = arith.xori %iota3A, %xor3A_35 : vector<16xi32>
    %scan3A = arith.constant 0 : i32
    %scan3A_37 = arith.constant 0 : i32
    %scan3A_38 = arith.constant 50 : i32
    %scan3A_39 = arith.addi %scan3A_37, %scan3A_38 : i32
    %scan3A_40 = arith.constant 1 : i32
    scf.for %scan3A_42 = %scan3A_37 to %scan3A_39 step %scan3A_40  : i32 {
      %mul3A_43 = arith.constant 4 : i32
      %mul3A_44 = arith.muli %scan3A_42, %mul3A_43 : i32
      %add3A_45 = arith.addi %mul3A_2, %mul3A_44 : i32
      %mul3A_46 = arith.constant 25600 : i32
      %mul3A_47 = arith.muli %add3A, %mul3A_46 : i32
      %mul3A_48 = arith.constant 512 : i32
      %mul3A_49 = arith.muli %scan3A_42, %mul3A_48 : i32
      %add3A_50 = arith.addi %mul3A_47, %mul3A_49 : i32
      %dma_start3A = arith.constant 0 : i32
      %dma_start3A_51 = tpu.memref_slice %arg2[%add3A_45, %dma_start3A] : memref<6400x128xi32, #tpu.memory_space<hbm>> -> memref<4x128xi32, #tpu.memory_space<hbm>>
      %dma_start3A_52 = arith.constant 0 : i32
      %dma_start3A_53 = tpu.memref_slice %arg2[%add3A_45, %dma_start3A_52] : memref<6400x128xi32, #tpu.memory_space<hbm>> -> memref<4x128xi32, #tpu.memory_space<hbm>>
      tpu.enqueue_dma source(%dma_start3A_53 : memref<4x128xi32, #tpu.memory_space<hbm>>) target(%arg9 : memref<4x128xi32, #tpu.memory_space<vmem>>) target_semaphore(%arg17 : memref<!tpu.dma_semaphore, #tpu.memory_space<semaphore_mem>>)
      %dma_start3A_54 = arith.constant 0 : i32
      %dma_start3A_55 = tpu.memref_slice %arg3[%add3A_45, %dma_start3A_54] : memref<6400x128xi32, #tpu.memory_space<hbm>> -> memref<4x128xi32, #tpu.memory_space<hbm>>
      %dma_start3A_56 = arith.constant 0 : i32
      %dma_start3A_57 = tpu.memref_slice %arg3[%add3A_45, %dma_start3A_56] : memref<6400x128xi32, #tpu.memory_space<hbm>> -> memref<4x128xi32, #tpu.memory_space<hbm>>
      tpu.enqueue_dma source(%dma_start3A_57 : memref<4x128xi32, #tpu.memory_space<hbm>>) target(%arg10 : memref<4x128xi32, #tpu.memory_space<vmem>>) target_semaphore(%arg17 : memref<!tpu.dma_semaphore, #tpu.memory_space<semaphore_mem>>)
      %dma_wait3A = arith.constant 0 : i32
      %dma_wait3A_58 = tpu.memref_slice %arg2[%add3A_45, %dma_wait3A] : memref<6400x128xi32, #tpu.memory_space<hbm>> -> memref<4x128xi32, #tpu.memory_space<hbm>>
      %dma_wait3A_59 = arith.constant 0 : i32
      %dma_wait3A_60 = tpu.memref_slice %arg2[%add3A_45, %dma_wait3A_59] : memref<6400x128xi32, #tpu.memory_space<hbm>> -> memref<4x128xi32, #tpu.memory_space<hbm>>
      tpu.wait_dma2 semaphore(%arg17 : memref<!tpu.dma_semaphore, #tpu.memory_space<semaphore_mem>>) src(%dma_wait3A_60 : memref<4x128xi32, #tpu.memory_space<hbm>>) dst(%arg9 : memref<4x128xi32, #tpu.memory_space<vmem>>)
      %dma_wait3A_61 = arith.constant 0 : i32
      %dma_wait3A_62 = tpu.memref_slice %arg3[%add3A_45, %dma_wait3A_61] : memref<6400x128xi32, #tpu.memory_space<hbm>> -> memref<4x128xi32, #tpu.memory_space<hbm>>
      %dma_wait3A_63 = arith.constant 0 : i32
      %dma_wait3A_64 = tpu.memref_slice %arg3[%add3A_45, %dma_wait3A_63] : memref<6400x128xi32, #tpu.memory_space<hbm>> -> memref<4x128xi32, #tpu.memory_space<hbm>>
      tpu.wait_dma2 semaphore(%arg17 : memref<!tpu.dma_semaphore, #tpu.memory_space<semaphore_mem>>) src(%dma_wait3A_64 : memref<4x128xi32, #tpu.memory_space<hbm>>) dst(%arg10 : memref<4x128xi32, #tpu.memory_space<vmem>>)
      %dma_start3A_65 = arith.constant 0 : i32
      %dma_start3A_66 = arith.constant 0 : i32
      %dma_start3A_67 = arith.constant 0 : i32
      %dma_start3A_68 = tpu.memref_slice %arg11[%dma_start3A_66, %dma_start3A_67] : memref<512x64xf32, #tpu.memory_space<vmem>> -> memref<128x64xf32, #tpu.memory_space<vmem>>
      %dma_start3A_69 = arith.constant 0 : i32
      %dma_start3A_70 = tpu.memref_slice %arg9[%dma_start3A_65, %dma_start3A_69] : memref<4x128xi32, #tpu.memory_space<vmem>> -> memref<1x128xi32, #tpu.memory_space<vmem>>
      %dma_start3A_71 = tpu.memref_squeeze %dma_start3A_70 : memref<1x128xi32, #tpu.memory_space<vmem>> -> memref<128xi32, #tpu.memory_space<vmem>>
      %dma_start3A_72 = arith.constant 0 : i32
      %dma_start3A_73 = arith.constant 0 : i32
      %dma_start3A_74 = tpu.memref_slice %arg4[%dma_start3A_72, %dma_start3A_73] : memref<1000000x64xf32, #tpu.memory_space<hbm>> -> memref<1000000x64xf32, #tpu.memory_space<hbm>>
      tpu.enqueue_indirect_dma source(%dma_start3A_74 : memref<1000000x64xf32, #tpu.memory_space<hbm>>) target(%dma_start3A_68 : memref<128x64xf32, #tpu.memory_space<vmem>>) offsets(%dma_start3A_71 : memref<128xi32, #tpu.memory_space<vmem>>) semaphore(%arg16 : memref<!tpu.dma_semaphore, #tpu.memory_space<semaphore_mem>>)
      %dma_start3A_75 = arith.constant 0 : i32
      %dma_start3A_76 = arith.constant 0 : i32
      %dma_start3A_77 = arith.constant 0 : i32
      %dma_start3A_78 = tpu.memref_slice %arg12[%dma_start3A_76, %dma_start3A_77] : memref<512x64xf32, #tpu.memory_space<vmem>> -> memref<128x64xf32, #tpu.memory_space<vmem>>
      %dma_start3A_79 = arith.constant 0 : i32
      %dma_start3A_80 = tpu.memref_slice %arg10[%dma_start3A_75, %dma_start3A_79] : memref<4x128xi32, #tpu.memory_space<vmem>> -> memref<1x128xi32, #tpu.memory_space<vmem>>
      %dma_start3A_81 = tpu.memref_squeeze %dma_start3A_80 : memref<1x128xi32, #tpu.memory_space<vmem>> -> memref<128xi32, #tpu.memory_space<vmem>>
      %dma_start3A_82 = arith.constant 0 : i32
      %dma_start3A_83 = arith.constant 0 : i32
      %dma_start3A_84 = tpu.memref_slice %arg5[%dma_start3A_82, %dma_start3A_83] : memref<512x64xf32, #tpu.memory_space<hbm>> -> memref<512x64xf32, #tpu.memory_space<hbm>>
      tpu.enqueue_indirect_dma source(%dma_start3A_84 : memref<512x64xf32, #tpu.memory_space<hbm>>) target(%dma_start3A_78 : memref<128x64xf32, #tpu.memory_space<vmem>>) offsets(%dma_start3A_81 : memref<128xi32, #tpu.memory_space<vmem>>) semaphore(%arg16 : memref<!tpu.dma_semaphore, #tpu.memory_space<semaphore_mem>>)
      %dma_start3A_85 = arith.constant 1 : i32
      %dma_start3A_86 = arith.constant 128 : i32
      %dma_start3A_87 = arith.constant 0 : i32
      %dma_start3A_88 = tpu.memref_slice %arg11[%dma_start3A_86, %dma_start3A_87] : memref<512x64xf32, #tpu.memory_space<vmem>> -> memref<128x64xf32, #tpu.memory_space<vmem>>
      %dma_start3A_89 = arith.constant 0 : i32
      %dma_start3A_90 = tpu.memref_slice %arg9[%dma_start3A_85, %dma_start3A_89] : memref<4x128xi32, #tpu.memory_space<vmem>> -> memref<1x128xi32, #tpu.memory_space<vmem>>
      %dma_start3A_91 = tpu.memref_squeeze %dma_start3A_90 : memref<1x128xi32, #tpu.memory_space<vmem>> -> memref<128xi32, #tpu.memory_space<vmem>>
      %dma_start3A_92 = arith.constant 0 : i32
      %dma_start3A_93 = arith.constant 0 : i32
      %dma_start3A_94 = tpu.memref_slice %arg4[%dma_start3A_92, %dma_start3A_93] : memref<1000000x64xf32, #tpu.memory_space<hbm>> -> memref<1000000x64xf32, #tpu.memory_space<hbm>>
      tpu.enqueue_indirect_dma source(%dma_start3A_94 : memref<1000000x64xf32, #tpu.memory_space<hbm>>) target(%dma_start3A_88 : memref<128x64xf32, #tpu.memory_space<vmem>>) offsets(%dma_start3A_91 : memref<128xi32, #tpu.memory_space<vmem>>) semaphore(%arg16 : memref<!tpu.dma_semaphore, #tpu.memory_space<semaphore_mem>>)
      %dma_start3A_95 = arith.constant 1 : i32
      %dma_start3A_96 = arith.constant 128 : i32
      %dma_start3A_97 = arith.constant 0 : i32
      %dma_start3A_98 = tpu.memref_slice %arg12[%dma_start3A_96, %dma_start3A_97] : memref<512x64xf32, #tpu.memory_space<vmem>> -> memref<128x64xf32, #tpu.memory_space<vmem>>
      %dma_start3A_99 = arith.constant 0 : i32
      %dma_start3A_100 = tpu.memref_slice %arg10[%dma_start3A_95, %dma_start3A_99] : memref<4x128xi32, #tpu.memory_space<vmem>> -> memref<1x128xi32, #tpu.memory_space<vmem>>
      %dma_start3A_101 = tpu.memref_squeeze %dma_start3A_100 : memref<1x128xi32, #tpu.memory_space<vmem>> -> memref<128xi32, #tpu.memory_space<vmem>>
      %dma_start3A_102 = arith.constant 0 : i32
      %dma_start3A_103 = arith.constant 0 : i32
      %dma_start3A_104 = tpu.memref_slice %arg5[%dma_start3A_102, %dma_start3A_103] : memref<512x64xf32, #tpu.memory_space<hbm>> -> memref<512x64xf32, #tpu.memory_space<hbm>>
      tpu.enqueue_indirect_dma source(%dma_start3A_104 : memref<512x64xf32, #tpu.memory_space<hbm>>) target(%dma_start3A_98 : memref<128x64xf32, #tpu.memory_space<vmem>>) offsets(%dma_start3A_101 : memref<128xi32, #tpu.memory_space<vmem>>) semaphore(%arg16 : memref<!tpu.dma_semaphore, #tpu.memory_space<semaphore_mem>>)
      %dma_start3A_105 = arith.constant 2 : i32
      %dma_start3A_106 = arith.constant 256 : i32
      %dma_start3A_107 = arith.constant 0 : i32
      %dma_start3A_108 = tpu.memref_slice %arg11[%dma_start3A_106, %dma_start3A_107] : memref<512x64xf32, #tpu.memory_space<vmem>> -> memref<128x64xf32, #tpu.memory_space<vmem>>
      %dma_start3A_109 = arith.constant 0 : i32
      %dma_start3A_110 = tpu.memref_slice %arg9[%dma_start3A_105, %dma_start3A_109] : memref<4x128xi32, #tpu.memory_space<vmem>> -> memref<1x128xi32, #tpu.memory_space<vmem>>
      %dma_start3A_111 = tpu.memref_squeeze %dma_start3A_110 : memref<1x128xi32, #tpu.memory_space<vmem>> -> memref<128xi32, #tpu.memory_space<vmem>>
      %dma_start3A_112 = arith.constant 0 : i32
      %dma_start3A_113 = arith.constant 0 : i32
      %dma_start3A_114 = tpu.memref_slice %arg4[%dma_start3A_112, %dma_start3A_113] : memref<1000000x64xf32, #tpu.memory_space<hbm>> -> memref<1000000x64xf32, #tpu.memory_space<hbm>>
      tpu.enqueue_indirect_dma source(%dma_start3A_114 : memref<1000000x64xf32, #tpu.memory_space<hbm>>) target(%dma_start3A_108 : memref<128x64xf32, #tpu.memory_space<vmem>>) offsets(%dma_start3A_111 : memref<128xi32, #tpu.memory_space<vmem>>) semaphore(%arg16 : memref<!tpu.dma_semaphore, #tpu.memory_space<semaphore_mem>>)
      %dma_start3A_115 = arith.constant 2 : i32
      %dma_start3A_116 = arith.constant 256 : i32
      %dma_start3A_117 = arith.constant 0 : i32
      %dma_start3A_118 = tpu.memref_slice %arg12[%dma_start3A_116, %dma_start3A_117] : memref<512x64xf32, #tpu.memory_space<vmem>> -> memref<128x64xf32, #tpu.memory_space<vmem>>
      %dma_start3A_119 = arith.constant 0 : i32
      %dma_start3A_120 = tpu.memref_slice %arg10[%dma_start3A_115, %dma_start3A_119] : memref<4x128xi32, #tpu.memory_space<vmem>> -> memref<1x128xi32, #tpu.memory_space<vmem>>
      %dma_start3A_121 = tpu.memref_squeeze %dma_start3A_120 : memref<1x128xi32, #tpu.memory_space<vmem>> -> memref<128xi32, #tpu.memory_space<vmem>>
      %dma_start3A_122 = arith.constant 0 : i32
      %dma_start3A_123 = arith.constant 0 : i32
      %dma_start3A_124 = tpu.memref_slice %arg5[%dma_start3A_122, %dma_start3A_123] : memref<512x64xf32, #tpu.memory_space<hbm>> -> memref<512x64xf32, #tpu.memory_space<hbm>>
      tpu.enqueue_indirect_dma source(%dma_start3A_124 : memref<512x64xf32, #tpu.memory_space<hbm>>) target(%dma_start3A_118 : memref<128x64xf32, #tpu.memory_space<vmem>>) offsets(%dma_start3A_121 : memref<128xi32, #tpu.memory_space<vmem>>) semaphore(%arg16 : memref<!tpu.dma_semaphore, #tpu.memory_space<semaphore_mem>>)
      %dma_start3A_125 = arith.constant 3 : i32
      %dma_start3A_126 = arith.constant 384 : i32
      %dma_start3A_127 = arith.constant 0 : i32
      %dma_start3A_128 = tpu.memref_slice %arg11[%dma_start3A_126, %dma_start3A_127] : memref<512x64xf32, #tpu.memory_space<vmem>> -> memref<128x64xf32, #tpu.memory_space<vmem>>
      %dma_start3A_129 = arith.constant 0 : i32
      %dma_start3A_130 = tpu.memref_slice %arg9[%dma_start3A_125, %dma_start3A_129] : memref<4x128xi32, #tpu.memory_space<vmem>> -> memref<1x128xi32, #tpu.memory_space<vmem>>
      %dma_start3A_131 = tpu.memref_squeeze %dma_start3A_130 : memref<1x128xi32, #tpu.memory_space<vmem>> -> memref<128xi32, #tpu.memory_space<vmem>>
      %dma_start3A_132 = arith.constant 0 : i32
      %dma_start3A_133 = arith.constant 0 : i32
      %dma_start3A_134 = tpu.memref_slice %arg4[%dma_start3A_132, %dma_start3A_133] : memref<1000000x64xf32, #tpu.memory_space<hbm>> -> memref<1000000x64xf32, #tpu.memory_space<hbm>>
      tpu.enqueue_indirect_dma source(%dma_start3A_134 : memref<1000000x64xf32, #tpu.memory_space<hbm>>) target(%dma_start3A_128 : memref<128x64xf32, #tpu.memory_space<vmem>>) offsets(%dma_start3A_131 : memref<128xi32, #tpu.memory_space<vmem>>) semaphore(%arg16 : memref<!tpu.dma_semaphore, #tpu.memory_space<semaphore_mem>>)
      %dma_start3A_135 = arith.constant 3 : i32
      %dma_start3A_136 = arith.constant 384 : i32
      %dma_start3A_137 = arith.constant 0 : i32
      %dma_start3A_138 = tpu.memref_slice %arg12[%dma_start3A_136, %dma_start3A_137] : memref<512x64xf32, #tpu.memory_space<vmem>> -> memref<128x64xf32, #tpu.memory_space<vmem>>
      %dma_start3A_139 = arith.constant 0 : i32
      %dma_start3A_140 = tpu.memref_slice %arg10[%dma_start3A_135, %dma_start3A_139] : memref<4x128xi32, #tpu.memory_space<vmem>> -> memref<1x128xi32, #tpu.memory_space<vmem>>
      %dma_start3A_141 = tpu.memref_squeeze %dma_start3A_140 : memref<1x128xi32, #tpu.memory_space<vmem>> -> memref<128xi32, #tpu.memory_space<vmem>>
      %dma_start3A_142 = arith.constant 0 : i32
      %dma_start3A_143 = arith.constant 0 : i32
      %dma_start3A_144 = tpu.memref_slice %arg5[%dma_start3A_142, %dma_start3A_143] : memref<512x64xf32, #tpu.memory_space<hbm>> -> memref<512x64xf32, #tpu.memory_space<hbm>>
      tpu.enqueue_indirect_dma source(%dma_start3A_144 : memref<512x64xf32, #tpu.memory_space<hbm>>) target(%dma_start3A_138 : memref<128x64xf32, #tpu.memory_space<vmem>>) offsets(%dma_start3A_141 : memref<128xi32, #tpu.memory_space<vmem>>) semaphore(%arg16 : memref<!tpu.dma_semaphore, #tpu.memory_space<semaphore_mem>>)
      %dma_wait3A_145 = arith.constant 0 : i32
      %dma_wait3A_146 = arith.constant 0 : i32
      %dma_wait3A_147 = arith.constant 0 : i32
      %dma_wait3A_148 = tpu.memref_slice %arg11[%dma_wait3A_146, %dma_wait3A_147] : memref<512x64xf32, #tpu.memory_space<vmem>> -> memref<128x64xf32, #tpu.memory_space<vmem>>
      %dma_wait3A_149 = arith.constant 0 : i32
      %dma_wait3A_150 = tpu.memref_slice %arg9[%dma_wait3A_145, %dma_wait3A_149] : memref<4x128xi32, #tpu.memory_space<vmem>> -> memref<1x128xi32, #tpu.memory_space<vmem>>
      %dma_wait3A_151 = tpu.memref_squeeze %dma_wait3A_150 : memref<1x128xi32, #tpu.memory_space<vmem>> -> memref<128xi32, #tpu.memory_space<vmem>>
      %dma_wait3A_152 = arith.constant 0 : i32
      %dma_wait3A_153 = arith.constant 0 : i32
      %dma_wait3A_154 = tpu.memref_slice %arg4[%dma_wait3A_152, %dma_wait3A_153] : memref<1000000x64xf32, #tpu.memory_space<hbm>> -> memref<1000000x64xf32, #tpu.memory_space<hbm>>
      tpu.wait_indirect_dma semaphore(%arg16 : memref<!tpu.dma_semaphore, #tpu.memory_space<semaphore_mem>>) src(%dma_wait3A_154 : memref<1000000x64xf32, #tpu.memory_space<hbm>>) dst(%dma_wait3A_148 : memref<128x64xf32, #tpu.memory_space<vmem>>)
      %dma_wait3A_155 = arith.constant 0 : i32
      %dma_wait3A_156 = arith.constant 0 : i32
      %dma_wait3A_157 = arith.constant 0 : i32
      %dma_wait3A_158 = tpu.memref_slice %arg12[%dma_wait3A_156, %dma_wait3A_157] : memref<512x64xf32, #tpu.memory_space<vmem>> -> memref<128x64xf32, #tpu.memory_space<vmem>>
      %dma_wait3A_159 = arith.constant 0 : i32
      %dma_wait3A_160 = tpu.memref_slice %arg10[%dma_wait3A_155, %dma_wait3A_159] : memref<4x128xi32, #tpu.memory_space<vmem>> -> memref<1x128xi32, #tpu.memory_space<vmem>>
      %dma_wait3A_161 = tpu.memref_squeeze %dma_wait3A_160 : memref<1x128xi32, #tpu.memory_space<vmem>> -> memref<128xi32, #tpu.memory_space<vmem>>
      %dma_wait3A_162 = arith.constant 0 : i32
      %dma_wait3A_163 = arith.constant 0 : i32
      %dma_wait3A_164 = tpu.memref_slice %arg5[%dma_wait3A_162, %dma_wait3A_163] : memref<512x64xf32, #tpu.memory_space<hbm>> -> memref<512x64xf32, #tpu.memory_space<hbm>>
      tpu.wait_indirect_dma semaphore(%arg16 : memref<!tpu.dma_semaphore, #tpu.memory_space<semaphore_mem>>) src(%dma_wait3A_164 : memref<512x64xf32, #tpu.memory_space<hbm>>) dst(%dma_wait3A_158 : memref<128x64xf32, #tpu.memory_space<vmem>>)
      %dma_wait3A_165 = arith.constant 1 : i32
      %dma_wait3A_166 = arith.constant 128 : i32
      %dma_wait3A_167 = arith.constant 0 : i32
      %dma_wait3A_168 = tpu.memref_slice %arg11[%dma_wait3A_166, %dma_wait3A_167] : memref<512x64xf32, #tpu.memory_space<vmem>> -> memref<128x64xf32, #tpu.memory_space<vmem>>
      %dma_wait3A_169 = arith.constant 0 : i32
      %dma_wait3A_170 = tpu.memref_slice %arg9[%dma_wait3A_165, %dma_wait3A_169] : memref<4x128xi32, #tpu.memory_space<vmem>> -> memref<1x128xi32, #tpu.memory_space<vmem>>
      %dma_wait3A_171 = tpu.memref_squeeze %dma_wait3A_170 : memref<1x128xi32, #tpu.memory_space<vmem>> -> memref<128xi32, #tpu.memory_space<vmem>>
      %dma_wait3A_172 = arith.constant 0 : i32
      %dma_wait3A_173 = arith.constant 0 : i32
      %dma_wait3A_174 = tpu.memref_slice %arg4[%dma_wait3A_172, %dma_wait3A_173] : memref<1000000x64xf32, #tpu.memory_space<hbm>> -> memref<1000000x64xf32, #tpu.memory_space<hbm>>
      tpu.wait_indirect_dma semaphore(%arg16 : memref<!tpu.dma_semaphore, #tpu.memory_space<semaphore_mem>>) src(%dma_wait3A_174 : memref<1000000x64xf32, #tpu.memory_space<hbm>>) dst(%dma_wait3A_168 : memref<128x64xf32, #tpu.memory_space<vmem>>)
      %dma_wait3A_175 = arith.constant 1 : i32
      %dma_wait3A_176 = arith.constant 128 : i32
      %dma_wait3A_177 = arith.constant 0 : i32
      %dma_wait3A_178 = tpu.memref_slice %arg12[%dma_wait3A_176, %dma_wait3A_177] : memref<512x64xf32, #tpu.memory_space<vmem>> -> memref<128x64xf32, #tpu.memory_space<vmem>>
      %dma_wait3A_179 = arith.constant 0 : i32
      %dma_wait3A_180 = tpu.memref_slice %arg10[%dma_wait3A_175, %dma_wait3A_179] : memref<4x128xi32, #tpu.memory_space<vmem>> -> memref<1x128xi32, #tpu.memory_space<vmem>>
      %dma_wait3A_181 = tpu.memref_squeeze %dma_wait3A_180 : memref<1x128xi32, #tpu.memory_space<vmem>> -> memref<128xi32, #tpu.memory_space<vmem>>
      %dma_wait3A_182 = arith.constant 0 : i32
      %dma_wait3A_183 = arith.constant 0 : i32
      %dma_wait3A_184 = tpu.memref_slice %arg5[%dma_wait3A_182, %dma_wait3A_183] : memref<512x64xf32, #tpu.memory_space<hbm>> -> memref<512x64xf32, #tpu.memory_space<hbm>>
      tpu.wait_indirect_dma semaphore(%arg16 : memref<!tpu.dma_semaphore, #tpu.memory_space<semaphore_mem>>) src(%dma_wait3A_184 : memref<512x64xf32, #tpu.memory_space<hbm>>) dst(%dma_wait3A_178 : memref<128x64xf32, #tpu.memory_space<vmem>>)
      %dma_wait3A_185 = arith.constant 2 : i32
      %dma_wait3A_186 = arith.constant 256 : i32
      %dma_wait3A_187 = arith.constant 0 : i32
      %dma_wait3A_188 = tpu.memref_slice %arg11[%dma_wait3A_186, %dma_wait3A_187] : memref<512x64xf32, #tpu.memory_space<vmem>> -> memref<128x64xf32, #tpu.memory_space<vmem>>
      %dma_wait3A_189 = arith.constant 0 : i32
      %dma_wait3A_190 = tpu.memref_slice %arg9[%dma_wait3A_185, %dma_wait3A_189] : memref<4x128xi32, #tpu.memory_space<vmem>> -> memref<1x128xi32, #tpu.memory_space<vmem>>
      %dma_wait3A_191 = tpu.memref_squeeze %dma_wait3A_190 : memref<1x128xi32, #tpu.memory_space<vmem>> -> memref<128xi32, #tpu.memory_space<vmem>>
      %dma_wait3A_192 = arith.constant 0 : i32
      %dma_wait3A_193 = arith.constant 0 : i32
      %dma_wait3A_194 = tpu.memref_slice %arg4[%dma_wait3A_192, %dma_wait3A_193] : memref<1000000x64xf32, #tpu.memory_space<hbm>> -> memref<1000000x64xf32, #tpu.memory_space<hbm>>
      tpu.wait_indirect_dma semaphore(%arg16 : memref<!tpu.dma_semaphore, #tpu.memory_space<semaphore_mem>>) src(%dma_wait3A_194 : memref<1000000x64xf32, #tpu.memory_space<hbm>>) dst(%dma_wait3A_188 : memref<128x64xf32, #tpu.memory_space<vmem>>)
      %dma_wait3A_195 = arith.constant 2 : i32
      %dma_wait3A_196 = arith.constant 256 : i32
      %dma_wait3A_197 = arith.constant 0 : i32
      %dma_wait3A_198 = tpu.memref_slice %arg12[%dma_wait3A_196, %dma_wait3A_197] : memref<512x64xf32, #tpu.memory_space<vmem>> -> memref<128x64xf32, #tpu.memory_space<vmem>>
      %dma_wait3A_199 = arith.constant 0 : i32
      %dma_wait3A_200 = tpu.memref_slice %arg10[%dma_wait3A_195, %dma_wait3A_199] : memref<4x128xi32, #tpu.memory_space<vmem>> -> memref<1x128xi32, #tpu.memory_space<vmem>>
      %dma_wait3A_201 = tpu.memref_squeeze %dma_wait3A_200 : memref<1x128xi32, #tpu.memory_space<vmem>> -> memref<128xi32, #tpu.memory_space<vmem>>
      %dma_wait3A_202 = arith.constant 0 : i32
      %dma_wait3A_203 = arith.constant 0 : i32
      %dma_wait3A_204 = tpu.memref_slice %arg5[%dma_wait3A_202, %dma_wait3A_203] : memref<512x64xf32, #tpu.memory_space<hbm>> -> memref<512x64xf32, #tpu.memory_space<hbm>>
      tpu.wait_indirect_dma semaphore(%arg16 : memref<!tpu.dma_semaphore, #tpu.memory_space<semaphore_mem>>) src(%dma_wait3A_204 : memref<512x64xf32, #tpu.memory_space<hbm>>) dst(%dma_wait3A_198 : memref<128x64xf32, #tpu.memory_space<vmem>>)
      %dma_wait3A_205 = arith.constant 3 : i32
      %dma_wait3A_206 = arith.constant 384 : i32
      %dma_wait3A_207 = arith.constant 0 : i32
      %dma_wait3A_208 = tpu.memref_slice %arg11[%dma_wait3A_206, %dma_wait3A_207] : memref<512x64xf32, #tpu.memory_space<vmem>> -> memref<128x64xf32, #tpu.memory_space<vmem>>
      %dma_wait3A_209 = arith.constant 0 : i32
      %dma_wait3A_210 = tpu.memref_slice %arg9[%dma_wait3A_205, %dma_wait3A_209] : memref<4x128xi32, #tpu.memory_space<vmem>> -> memref<1x128xi32, #tpu.memory_space<vmem>>
      %dma_wait3A_211 = tpu.memref_squeeze %dma_wait3A_210 : memref<1x128xi32, #tpu.memory_space<vmem>> -> memref<128xi32, #tpu.memory_space<vmem>>
      %dma_wait3A_212 = arith.constant 0 : i32
      %dma_wait3A_213 = arith.constant 0 : i32
      %dma_wait3A_214 = tpu.memref_slice %arg4[%dma_wait3A_212, %dma_wait3A_213] : memref<1000000x64xf32, #tpu.memory_space<hbm>> -> memref<1000000x64xf32, #tpu.memory_space<hbm>>
      tpu.wait_indirect_dma semaphore(%arg16 : memref<!tpu.dma_semaphore, #tpu.memory_space<semaphore_mem>>) src(%dma_wait3A_214 : memref<1000000x64xf32, #tpu.memory_space<hbm>>) dst(%dma_wait3A_208 : memref<128x64xf32, #tpu.memory_space<vmem>>)
      %dma_wait3A_215 = arith.constant 3 : i32
      %dma_wait3A_216 = arith.constant 384 : i32
      %dma_wait3A_217 = arith.constant 0 : i32
      %dma_wait3A_218 = tpu.memref_slice %arg12[%dma_wait3A_216, %dma_wait3A_217] : memref<512x64xf32, #tpu.memory_space<vmem>> -> memref<128x64xf32, #tpu.memory_space<vmem>>
      %dma_wait3A_219 = arith.constant 0 : i32
      %dma_wait3A_220 = tpu.memref_slice %arg10[%dma_wait3A_215, %dma_wait3A_219] : memref<4x128xi32, #tpu.memory_space<vmem>> -> memref<1x128xi32, #tpu.memory_space<vmem>>
      %dma_wait3A_221 = tpu.memref_squeeze %dma_wait3A_220 : memref<1x128xi32, #tpu.memory_space<vmem>> -> memref<128xi32, #tpu.memory_space<vmem>>
      %dma_wait3A_222 = arith.constant 0 : i32
      %dma_wait3A_223 = arith.constant 0 : i32
      %dma_wait3A_224 = tpu.memref_slice %arg5[%dma_wait3A_222, %dma_wait3A_223] : memref<512x64xf32, #tpu.memory_space<hbm>> -> memref<512x64xf32, #tpu.memory_space<hbm>>
      tpu.wait_indirect_dma semaphore(%arg16 : memref<!tpu.dma_semaphore, #tpu.memory_space<semaphore_mem>>) src(%dma_wait3A_224 : memref<512x64xf32, #tpu.memory_space<hbm>>) dst(%dma_wait3A_218 : memref<128x64xf32, #tpu.memory_space<vmem>>)
      %scan3A_225 = arith.constant 0 : i32
      %scan3A_226 = arith.constant 0 : i32
      %scan3A_227 = arith.constant 512 : i32
      %scan3A_228 = arith.addi %scan3A_226, %scan3A_227 : i32
      %scan3A_229 = arith.constant 1 : i32
      scf.for %scan3A_231 = %scan3A_226 to %scan3A_228 step %scan3A_229  : i32 {
        %get3A_232 = arith.index_cast %scan3A_231 : i32 to index
        %get3A_233 = arith.constant 0 : index
        %get3A_234 = tpu.vector_load %arg11[%get3A_232, %get3A_233] {strides = array<i32>} : memref<512x64xf32, #tpu.memory_space<vmem>>, vector<1x16xf32>,
        %get3A_235 = vector.shape_cast %get3A_234 : vector<1x16xf32> to vector<16xf32>
        %get3A_236 = arith.index_cast %scan3A_231 : i32 to index
        %get3A_237 = arith.constant 0 : index
        %get3A_238 = tpu.vector_load %arg12[%get3A_236, %get3A_237] {strides = array<i32>} : memref<512x64xf32, #tpu.memory_space<vmem>>, vector<1x16xf32>,
        %get3A_239 = vector.shape_cast %get3A_238 : vector<1x16xf32> to vector<16xf32>
        %add3A_240 = arith.addf %get3A_235, %get3A_239 : vector<16xf32>
        %get3A_241 = arith.index_cast %scan3A_231 : i32 to index
        %get3A_242 = arith.constant 16 : index
        %get3A_243 = tpu.vector_load %arg11[%get3A_241, %get3A_242] {strides = array<i32>} : memref<512x64xf32, #tpu.memory_space<vmem>>, vector<1x16xf32>,
        %get3A_244 = vector.shape_cast %get3A_243 : vector<1x16xf32> to vector<16xf32>
        %get3A_245 = arith.index_cast %scan3A_231 : i32 to index
        %get3A_246 = arith.constant 16 : index
        %get3A_247 = tpu.vector_load %arg12[%get3A_245, %get3A_246] {strides = array<i32>} : memref<512x64xf32, #tpu.memory_space<vmem>>, vector<1x16xf32>,
        %get3A_248 = vector.shape_cast %get3A_247 : vector<1x16xf32> to vector<16xf32>
        %add3A_249 = arith.addf %get3A_244, %get3A_248 : vector<16xf32>
        %get3A_250 = arith.index_cast %scan3A_231 : i32 to index
        %get3A_251 = arith.constant 32 : index
        %get3A_252 = tpu.vector_load %arg11[%get3A_250, %get3A_251] {strides = array<i32>} : memref<512x64xf32, #tpu.memory_space<vmem>>, vector<1x16xf32>,
        %get3A_253 = vector.shape_cast %get3A_252 : vector<1x16xf32> to vector<16xf32>
        %get3A_254 = arith.index_cast %scan3A_231 : i32 to index
        %get3A_255 = arith.constant 32 : index
        %get3A_256 = tpu.vector_load %arg12[%get3A_254, %get3A_255] {strides = array<i32>} : memref<512x64xf32, #tpu.memory_space<vmem>>, vector<1x16xf32>,
        %get3A_257 = vector.shape_cast %get3A_256 : vector<1x16xf32> to vector<16xf32>
        %add3A_258 = arith.addf %get3A_253, %get3A_257 : vector<16xf32>
        %get3A_259 = arith.index_cast %scan3A_231 : i32 to index
        %get3A_260 = arith.constant 48 : index
        %get3A_261 = tpu.vector_load %arg11[%get3A_259, %get3A_260] {strides = array<i32>} : memref<512x64xf32, #tpu.memory_space<vmem>>, vector<1x16xf32>,
        %get3A_262 = vector.shape_cast %get3A_261 : vector<1x16xf32> to vector<16xf32>
        %get3A_263 = arith.index_cast %scan3A_231 : i32 to index
        %get3A_264 = arith.constant 48 : index
        %get3A_265 = tpu.vector_load %arg12[%get3A_263, %get3A_264] {strides = array<i32>} : memref<512x64xf32, #tpu.memory_space<vmem>>, vector<1x16xf32>,
        %get3A_266 = vector.shape_cast %get3A_265 : vector<1x16xf32> to vector<16xf32>
        %add3A_267 = arith.addf %get3A_262, %get3A_266 : vector<16xf32>
        %add3A_268 = arith.addf %add3A_240, %add3A_249 : vector<16xf32>
        %add3A_269 = arith.addf %add3A_258, %add3A_267 : vector<16xf32>
        %add3A_270 = arith.addf %add3A_268, %add3A_269 : vector<16xf32>
        %mul3A_271 = arith.mulf %add3A_240, %add3A_240 : vector<16xf32>
        %mul3A_272 = arith.mulf %add3A_249, %add3A_249 : vector<16xf32>
        %add3A_273 = arith.addf %mul3A_271, %mul3A_272 : vector<16xf32>
        %mul3A_274 = arith.mulf %add3A_258, %add3A_258 : vector<16xf32>
        %add3A_275 = arith.addf %add3A_273, %mul3A_274 : vector<16xf32>
        %mul3A_276 = arith.mulf %add3A_267, %add3A_267 : vector<16xf32>
        %add3A_277 = arith.addf %add3A_275, %mul3A_276 : vector<16xf32>
        %lt3A = arith.constant 0 : i32
        %lt3A_278 = vector.broadcast %lt3A : i32 to vector<16xi32>
        %lt3A_279 = arith.cmpi slt, %xor3A_27, %lt3A_278 : vector<16xi32>
        %add3A_280 = arith.constant 16 : i32
        %add3A_281 = vector.broadcast %add3A_280 : i32 to vector<16xi32>
        %add3A_282 = arith.addi %xor3A_27, %add3A_281 : vector<16xi32>
        %select_n3A = arith.select %lt3A_279, %add3A_282, %xor3A_27 : vector<16xi1>, vector<16xi32>
        %broadcast_in_dim3A = vector.shape_cast %select_n3A : vector<16xi32> to vector<16x1xi32>
        %gather3A = vector.shape_cast %broadcast_in_dim3A : vector<16x1xi32> to vector<16xi32>
        %gather3A_283 = tpu.dynamic_gather %add3A_270[%gather3A] in [0] : vector<16xf32>, vector<16xi32> -> vector<16xf32>
        %add3A_284 = arith.addf %add3A_270, %gather3A_283 : vector<16xf32>
        %lt3A_285 = arith.constant 0 : i32
        %lt3A_286 = vector.broadcast %lt3A_285 : i32 to vector<16xi32>
        %lt3A_287 = arith.cmpi slt, %xor3A_27, %lt3A_286 : vector<16xi32>
        %add3A_288 = arith.constant 16 : i32
        %add3A_289 = vector.broadcast %add3A_288 : i32 to vector<16xi32>
        %add3A_290 = arith.addi %xor3A_27, %add3A_289 : vector<16xi32>
        %select_n3A_291 = arith.select %lt3A_287, %add3A_290, %xor3A_27 : vector<16xi1>, vector<16xi32>
        %broadcast_in_dim3A_292 = vector.shape_cast %select_n3A_291 : vector<16xi32> to vector<16x1xi32>
        %gather3A_293 = vector.shape_cast %broadcast_in_dim3A_292 : vector<16x1xi32> to vector<16xi32>
        %gather3A_294 = tpu.dynamic_gather %add3A_277[%gather3A_293] in [0] : vector<16xf32>, vector<16xi32> -> vector<16xf32>
        %add3A_295 = arith.addf %add3A_277, %gather3A_294 : vector<16xf32>
        %lt3A_296 = arith.constant 0 : i32
        %lt3A_297 = vector.broadcast %lt3A_296 : i32 to vector<16xi32>
        %lt3A_298 = arith.cmpi slt, %xor3A_30, %lt3A_297 : vector<16xi32>
        %add3A_299 = arith.constant 16 : i32
        %add3A_300 = vector.broadcast %add3A_299 : i32 to vector<16xi32>
        %add3A_301 = arith.addi %xor3A_30, %add3A_300 : vector<16xi32>
        %select_n3A_302 = arith.select %lt3A_298, %add3A_301, %xor3A_30 : vector<16xi1>, vector<16xi32>
        %broadcast_in_dim3A_303 = vector.shape_cast %select_n3A_302 : vector<16xi32> to vector<16x1xi32>
        %gather3A_304 = vector.shape_cast %broadcast_in_dim3A_303 : vector<16x1xi32> to vector<16xi32>
        %gather3A_305 = tpu.dynamic_gather %add3A_284[%gather3A_304] in [0] : vector<16xf32>, vector<16xi32> -> vector<16xf32>
        %add3A_306 = arith.addf %add3A_284, %gather3A_305 : vector<16xf32>
        %lt3A_307 = arith.constant 0 : i32
        %lt3A_308 = vector.broadcast %lt3A_307 : i32 to vector<16xi32>
        %lt3A_309 = arith.cmpi slt, %xor3A_30, %lt3A_308 : vector<16xi32>
        %add3A_310 = arith.constant 16 : i32
        %add3A_311 = vector.broadcast %add3A_310 : i32 to vector<16xi32>
        %add3A_312 = arith.addi %xor3A_30, %add3A_311 : vector<16xi32>
        %select_n3A_313 = arith.select %lt3A_309, %add3A_312, %xor3A_30 : vector<16xi1>, vector<16xi32>
        %broadcast_in_dim3A_314 = vector.shape_cast %select_n3A_313 : vector<16xi32> to vector<16x1xi32>
        %gather3A_315 = vector.shape_cast %broadcast_in_dim3A_314 : vector<16x1xi32> to vector<16xi32>
        %gather3A_316 = tpu.dynamic_gather %add3A_295[%gather3A_315] in [0] : vector<16xf32>, vector<16xi32> -> vector<16xf32>
        %add3A_317 = arith.addf %add3A_295, %gather3A_316 : vector<16xf32>
        %lt3A_318 = arith.constant 0 : i32
        %lt3A_319 = vector.broadcast %lt3A_318 : i32 to vector<16xi32>
        %lt3A_320 = arith.cmpi slt, %xor3A_33, %lt3A_319 : vector<16xi32>
        %add3A_321 = arith.constant 16 : i32
        %add3A_322 = vector.broadcast %add3A_321 : i32 to vector<16xi32>
        %add3A_323 = arith.addi %xor3A_33, %add3A_322 : vector<16xi32>
        %select_n3A_324 = arith.select %lt3A_320, %add3A_323, %xor3A_33 : vector<16xi1>, vector<16xi32>
        %broadcast_in_dim3A_325 = vector.shape_cast %select_n3A_324 : vector<16xi32> to vector<16x1xi32>
        %gather3A_326 = vector.shape_cast %broadcast_in_dim3A_325 : vector<16x1xi32> to vector<16xi32>
        %gather3A_327 = tpu.dynamic_gather %add3A_306[%gather3A_326] in [0] : vector<16xf32>, vector<16xi32> -> vector<16xf32>
        %add3A_328 = arith.addf %add3A_306, %gather3A_327 : vector<16xf32>
        %lt3A_329 = arith.constant 0 : i32
        %lt3A_330 = vector.broadcast %lt3A_329 : i32 to vector<16xi32>
        %lt3A_331 = arith.cmpi slt, %xor3A_33, %lt3A_330 : vector<16xi32>
        %add3A_332 = arith.constant 16 : i32
        %add3A_333 = vector.broadcast %add3A_332 : i32 to vector<16xi32>
        %add3A_334 = arith.addi %xor3A_33, %add3A_333 : vector<16xi32>
        %select_n3A_335 = arith.select %lt3A_331, %add3A_334, %xor3A_33 : vector<16xi1>, vector<16xi32>
        %broadcast_in_dim3A_336 = vector.shape_cast %select_n3A_335 : vector<16xi32> to vector<16x1xi32>
        %gather3A_337 = vector.shape_cast %broadcast_in_dim3A_336 : vector<16x1xi32> to vector<16xi32>
        %gather3A_338 = tpu.dynamic_gather %add3A_317[%gather3A_337] in [0] : vector<16xf32>, vector<16xi32> -> vector<16xf32>
        %add3A_339 = arith.addf %add3A_317, %gather3A_338 : vector<16xf32>
        %lt3A_340 = arith.constant 0 : i32
        %lt3A_341 = vector.broadcast %lt3A_340 : i32 to vector<16xi32>
        %lt3A_342 = arith.cmpi slt, %xor3A_36, %lt3A_341 : vector<16xi32>
        %add3A_343 = arith.constant 16 : i32
        %add3A_344 = vector.broadcast %add3A_343 : i32 to vector<16xi32>
        %add3A_345 = arith.addi %xor3A_36, %add3A_344 : vector<16xi32>
        %select_n3A_346 = arith.select %lt3A_342, %add3A_345, %xor3A_36 : vector<16xi1>, vector<16xi32>
        %broadcast_in_dim3A_347 = vector.shape_cast %select_n3A_346 : vector<16xi32> to vector<16x1xi32>
        %gather3A_348 = vector.shape_cast %broadcast_in_dim3A_347 : vector<16x1xi32> to vector<16xi32>
        %gather3A_349 = tpu.dynamic_gather %add3A_328[%gather3A_348] in [0] : vector<16xf32>, vector<16xi32> -> vector<16xf32>
        %add3A_350 = arith.addf %add3A_328, %gather3A_349 : vector<16xf32>
        %lt3A_351 = arith.constant 0 : i32
        %lt3A_352 = vector.broadcast %lt3A_351 : i32 to vector<16xi32>
        %lt3A_353 = arith.cmpi slt, %xor3A_36, %lt3A_352 : vector<16xi32>
        %add3A_354 = arith.constant 16 : i32
        %add3A_355 = vector.broadcast %add3A_354 : i32 to vector<16xi32>
        %add3A_356 = arith.addi %xor3A_36, %add3A_355 : vector<16xi32>
        %select_n3A_357 = arith.select %lt3A_353, %add3A_356, %xor3A_36 : vector<16xi1>, vector<16xi32>
        %broadcast_in_dim3A_358 = vector.shape_cast %select_n3A_357 : vector<16xi32> to vector<16x1xi32>
        %gather3A_359 = vector.shape_cast %broadcast_in_dim3A_358 : vector<16x1xi32> to vector<16xi32>
        %gather3A_360 = tpu.dynamic_gather %add3A_339[%gather3A_359] in [0] : vector<16xf32>, vector<16xi32> -> vector<16xf32>
        %add3A_361 = arith.addf %add3A_339, %gather3A_360 : vector<16xf32>
        %mul3A_362 = arith.constant 1.562500e-02 : f32
        %mul3A_363 = vector.broadcast %mul3A_362 : f32 to vector<16xf32>
        %mul3A_364 = arith.mulf %add3A_350, %mul3A_363 : vector<16xf32>
        %mul3A_365 = arith.constant 1.562500e-02 : f32
        %mul3A_366 = vector.broadcast %mul3A_365 : f32 to vector<16xf32>
        %mul3A_367 = arith.mulf %add3A_361, %mul3A_366 : vector<16xf32>
        %mul3A_368 = arith.mulf %mul3A_364, %mul3A_364 : vector<16xf32>
        %sub3A = arith.subf %mul3A_367, %mul3A_368 : vector<16xf32>
        %add3A_369 = arith.constant 9.99999996E-13 : f32
        %add3A_370 = vector.broadcast %add3A_369 : f32 to vector<16xf32>
        %add3A_371 = arith.addf %sub3A, %add3A_370 : vector<16xf32>
        %bitcast_convert_type3A = tpu.bitcast %add3A_371 : vector<16xf32> -> vector<16xi32>
        %shift_right_arithmetic3A = arith.constant 1 : i32
        %shift_right_arithmetic3A_372 = vector.broadcast %shift_right_arithmetic3A : i32 to vector<16xi32>
        %shift_right_arithmetic3A_373 = arith.shrsi %bitcast_convert_type3A, %shift_right_arithmetic3A_372 : vector<16xi32>
        %sub3A_374 = arith.constant 1597463007 : i32
        %sub3A_375 = vector.broadcast %sub3A_374 : i32 to vector<16xi32>
        %sub3A_376 = arith.subi %sub3A_375, %shift_right_arithmetic3A_373 : vector<16xi32>
        %bitcast_convert_type3A_377 = tpu.bitcast %sub3A_376 : vector<16xi32> -> vector<16xf32>
        %mul3A_378 = arith.constant 5.000000e-01 : f32
        %mul3A_379 = vector.broadcast %mul3A_378 : f32 to vector<16xf32>
        %mul3A_380 = arith.mulf %add3A_371, %mul3A_379 : vector<16xf32>
        %mul3A_381 = arith.mulf %mul3A_380, %bitcast_convert_type3A_377 : vector<16xf32>
        %mul3A_382 = arith.mulf %mul3A_381, %bitcast_convert_type3A_377 : vector<16xf32>
        %sub3A_383 = arith.constant 1.500000e+00 : f32
        %sub3A_384 = vector.broadcast %sub3A_383 : f32 to vector<16xf32>
        %sub3A_385 = arith.subf %sub3A_384, %mul3A_382 : vector<16xf32>
        %mul3A_386 = arith.mulf %bitcast_convert_type3A_377, %sub3A_385 : vector<16xf32>
        %mul3A_387 = arith.mulf %mul3A_380, %mul3A_386 : vector<16xf32>
        %mul3A_388 = arith.mulf %mul3A_387, %mul3A_386 : vector<16xf32>
        %sub3A_389 = arith.constant 1.500000e+00 : f32
        %sub3A_390 = vector.broadcast %sub3A_389 : f32 to vector<16xf32>
        %sub3A_391 = arith.subf %sub3A_390, %mul3A_388 : vector<16xf32>
        %mul3A_392 = arith.mulf %mul3A_386, %sub3A_391 : vector<16xf32>
        %mul3A_393 = arith.mulf %mul3A_380, %mul3A_392 : vector<16xf32>
        %mul3A_394 = arith.mulf %mul3A_393, %mul3A_392 : vector<16xf32>
        %sub3A_395 = arith.constant 1.500000e+00 : f32
        %sub3A_396 = vector.broadcast %sub3A_395 : f32 to vector<16xf32>
        %sub3A_397 = arith.subf %sub3A_396, %mul3A_394 : vector<16xf32>
        %mul3A_398 = arith.mulf %mul3A_392, %sub3A_397 : vector<16xf32>
        %sub3A_399 = arith.subf %add3A_240, %mul3A_364 : vector<16xf32>
        %mul3A_400 = arith.mulf %sub3A_399, %mul3A_398 : vector<16xf32>
        %mul3A_401 = arith.mulf %mul3A_400, %get3A_4 : vector<16xf32>
        %add3A_402 = arith.addf %mul3A_401, %get3A_16 : vector<16xf32>
        %swap3A = arith.index_cast %scan3A_231 : i32 to index
        %swap3A_403 = arith.constant 0 : index
        %swap3A_404 = tpu.vector_load %arg13[%swap3A, %swap3A_403] {strides = array<i32>} : memref<512x64xf32, #tpu.memory_space<vmem>>, vector<1x16xf32>,
        %swap3A_405 = vector.shape_cast %swap3A_404 : vector<1x16xf32> to vector<16xf32>
        %swap3A_406 = vector.shape_cast %add3A_402 : vector<16xf32> to vector<1x16xf32>
        tpu.vector_store %arg13[%swap3A, %swap3A_403], %swap3A_406 {strides = array<i32>} : memref<512x64xf32, #tpu.memory_space<vmem>>, vector<1x16xf32>,
        %sub3A_407 = arith.subf %add3A_249, %mul3A_364 : vector<16xf32>
        %mul3A_408 = arith.mulf %sub3A_407, %mul3A_398 : vector<16xf32>
        %mul3A_409 = arith.mulf %mul3A_408, %get3A_7 : vector<16xf32>
        %add3A_410 = arith.addf %mul3A_409, %get3A_19 : vector<16xf32>
        %swap3A_411 = arith.index_cast %scan3A_231 : i32 to index
        %swap3A_412 = arith.constant 16 : index
        %swap3A_413 = tpu.vector_load %arg13[%swap3A_411, %swap3A_412] {strides = array<i32>} : memref<512x64xf32, #tpu.memory_space<vmem>>, vector<1x16xf32>,
        %swap3A_414 = vector.shape_cast %swap3A_413 : vector<1x16xf32> to vector<16xf32>
        %swap3A_415 = vector.shape_cast %add3A_410 : vector<16xf32> to vector<1x16xf32>
        tpu.vector_store %arg13[%swap3A_411, %swap3A_412], %swap3A_415 {strides = array<i32>} : memref<512x64xf32, #tpu.memory_space<vmem>>, vector<1x16xf32>,
        %sub3A_416 = arith.subf %add3A_258, %mul3A_364 : vector<16xf32>
        %mul3A_417 = arith.mulf %sub3A_416, %mul3A_398 : vector<16xf32>
        %mul3A_418 = arith.mulf %mul3A_417, %get3A_10 : vector<16xf32>
        %add3A_419 = arith.addf %mul3A_418, %get3A_22 : vector<16xf32>
        %swap3A_420 = arith.index_cast %scan3A_231 : i32 to index
        %swap3A_421 = arith.constant 32 : index
        %swap3A_422 = tpu.vector_load %arg13[%swap3A_420, %swap3A_421] {strides = array<i32>} : memref<512x64xf32, #tpu.memory_space<vmem>>, vector<1x16xf32>,
        %swap3A_423 = vector.shape_cast %swap3A_422 : vector<1x16xf32> to vector<16xf32>
        %swap3A_424 = vector.shape_cast %add3A_419 : vector<16xf32> to vector<1x16xf32>
        tpu.vector_store %arg13[%swap3A_420, %swap3A_421], %swap3A_424 {strides = array<i32>} : memref<512x64xf32, #tpu.memory_space<vmem>>, vector<1x16xf32>,
        %sub3A_425 = arith.subf %add3A_267, %mul3A_364 : vector<16xf32>
        %mul3A_426 = arith.mulf %sub3A_425, %mul3A_398 : vector<16xf32>
        %mul3A_427 = arith.mulf %mul3A_426, %get3A_13 : vector<16xf32>
        %add3A_428 = arith.addf %mul3A_427, %get3A_25 : vector<16xf32>
        %swap3A_429 = arith.index_cast %scan3A_231 : i32 to index
        %swap3A_430 = arith.constant 48 : index
        %swap3A_431 = tpu.vector_load %arg13[%swap3A_429, %swap3A_430] {strides = array<i32>} : memref<512x64xf32, #tpu.memory_space<vmem>>, vector<1x16xf32>,
        %swap3A_432 = vector.shape_cast %swap3A_431 : vector<1x16xf32> to vector<16xf32>
        %swap3A_433 = vector.shape_cast %add3A_428 : vector<16xf32> to vector<1x16xf32>
        tpu.vector_store %arg13[%swap3A_429, %swap3A_430], %swap3A_433 {strides = array<i32>} : memref<512x64xf32, #tpu.memory_space<vmem>>, vector<1x16xf32>,
      }
      %scan3A_230 = arith.constant 512 : i32
      "tpu.region"() ({
        %run_scoped3A = tpu.sem_alloc : memref<!tpu.dma_semaphore, #tpu.memory_space<semaphore_mem>>
        %dma_start3A_231 = arith.constant 0 : i32
        %dma_start3A_232 = tpu.memref_slice %arg8[%add3A_50, %dma_start3A_231] : memref<819200x64xf32, #tpu.memory_space<hbm>> -> memref<512x64xf32, #tpu.memory_space<hbm>>
        %dma_start3A_233 = arith.constant 0 : i32
        %dma_start3A_234 = tpu.memref_slice %arg8[%add3A_50, %dma_start3A_233] : memref<819200x64xf32, #tpu.memory_space<hbm>> -> memref<512x64xf32, #tpu.memory_space<hbm>>
        tpu.enqueue_dma source(%arg13 : memref<512x64xf32, #tpu.memory_space<vmem>>) target(%dma_start3A_234 : memref<512x64xf32, #tpu.memory_space<hbm>>) target_semaphore(%run_scoped3A : memref<!tpu.dma_semaphore, #tpu.memory_space<semaphore_mem>>)
        %dma_wait3A_235 = arith.constant 0 : i32
        %dma_wait3A_236 = tpu.memref_slice %arg8[%add3A_50, %dma_wait3A_235] : memref<819200x64xf32, #tpu.memory_space<hbm>> -> memref<512x64xf32, #tpu.memory_space<hbm>>
        %dma_wait3A_237 = arith.constant 0 : i32
        %dma_wait3A_238 = tpu.memref_slice %arg8[%add3A_50, %dma_wait3A_237] : memref<819200x64xf32, #tpu.memory_space<hbm>> -> memref<512x64xf32, #tpu.memory_space<hbm>>
        tpu.wait_dma2 semaphore(%run_scoped3A : memref<!tpu.dma_semaphore, #tpu.memory_space<semaphore_mem>>) src(%arg13 : memref<512x64xf32, #tpu.memory_space<vmem>>) dst(%dma_wait3A_238 : memref<512x64xf32, #tpu.memory_space<hbm>>)
        tpu.yield
      }) : () -> ()
    }
    %scan3A_41 = arith.constant 50 : i32
    return
  }
}

</mosaic_0001>

<sc_bundles>
// kernel: _run.3.cloned.1.call-start
scs
__scs_entry_jumppad:
0x0: {  	(pc) =	sbr.rel $0x88, $3  }
0x1: {  	(tag) =	ssettag $0x0;
	lr =	simm.s32 $0x1  }
0x2: {  	[smem:$0x3F9B] =	sst lr;
	_ =	strace $0xD0000000  }
0x3: {  	_ = 	snop  }
0x4: {  	_ = 	snop  }
0x5: {  	_ = 	snop  }
0x6: {  	_ = 	snop  }
0x7: {  	_ = 	snop  }
__scs_overlays_trampoline_lowered:
0x8: {  	[smem:$0x3FAA] =	sst s0  }
0x9: {  	[smem:$0x3FAB] =	sst s1  }
0xa: {  	[smem:$0x3FAC] =	sst s2  }
0xb: {  	[smem:$0x3FAD] =	sst s3  }
0xc: {  	[smem:$0x3FAE] =	sst s4  }
0xd: {  	[smem:$0x3FAF] =	sst s5  }
0xe: {  	[smem:$0x3FB0] =	sst s6  }
0xf: {  	[smem:$0x3FB1] =	sst s7  }
0x10: {  	[smem:$0x3FB2] =	sst s8  }
0x11: {  	[smem:$0x3FB3] =	sst s9;
	s0 =	simm.s32 @!p0 $0x0  }
0x12: {  	s1 =	sld [smem:$0x3F99];
	s0 =	simm.s32 @p0 $0x1  }
0x13: {  	[smem:$0x3FB4] =	sst s0;
	s0 =	simm.s32 @!p1 $0x0  }
0x14: {  	s2 =	sld [smem:$0x3F98];
	s0 =	simm.s32 @p1 $0x1  }
0x15: {  	[smem:$0x3FB5] =	sst s0;
	s0 =	simm.s32 @!p2 $0x0  }
0x16: {  	s3 =	sld [smem:$0x3FDB];
	s0 =	simm.s32 @p2 $0x1  }
0x17: {  	s4 =	simm.s32 $0x1BF5;
	[smem:$0x3FB7] =	sst s0  }
0x18: {  	s0 =	sld [smem:$0x3F9A];
	_ =	swait.ge [sflag:s4], $0x0  }
0x19: {  	s7 =	sld [smem:$0x3F9B]  }
0x1a: {  	s8 =	sadd.s32 $0xFFFFE003, lr  }
0x1b: {  	s9 =	sadd.s32 $0xFFFFFEF7, lr;
	s5 =	simm.s32 $0xFFFFFFFF;
	p2 =	slt.u32 s8, $0xFFFFF086  }
0x1c: {  	p1 =	slt.u32 s9, $0xF7A;
	s5 =	simm.s32 @!p2 $0x0  }
0x1d: {  	s5 =	simm.s32 @p1 $0x1;
	p0 =	seq.s32 s7, s2  }
0x1e: {  	s7 =	smul.u32 @!p0 $0xF7A, s2;
	p2 =	seq.s32 @!p0 s5, $0x0  }
0x1f: {  	s9 =	smul.u32 $0xF7A, s1;
	s8 =	simm.s32 @!p0 $0x1BF5;
	p2 =	por !p2, p0  }
0x20: {  	[sflag:s8] =	ssyncset.s32 @!p0 $0xFFFFF086;
	s6 =	sadd.s32 @!p0 s3, s7;
	s7 =	simm.s32 @!p0 $0x108  }
0x21: {  	s3 =	sadd.s32 s3, s9;
	s6 =	sadd.s32 @!p0 $0x88, s6;
	s7 =	simm.s32 @p2 $0x1082  }
0x22: {  	[simem:s7], [sflag:s8] =	dma.local @!p0 [hbm:s6], $0xF7A  }
0x23: {  	s9 =	sor.u32 $0xD0000000, s2;
	s6 =	simm.s32 $0x108;
	_ =	swait.ge @!p0 [sflag:s8], $0x0  }
0x24: {  	s3 =	sadd.s32 $0x88, s3;
	s6 =	simm.s32 @!p1 $0x1082;
	[sflag:s4] =	ssyncset.s32 $0xFFFFF086  }
0x25: {  	[simem:s6], [sflag:s4] =	dma.local [hbm:s3], $0xF7A  }
0x26: {  	[smem:$0x3F9B] =	sst s1;
	(tag) =	ssettag s2;
	_ =	strace s9  }
0x27: {  	s1 =	sld [smem:$0x3FAB]  }
0x28: {  	s2 =	sld [smem:$0x3FAC]  }
0x29: {  	s4 =	sld [smem:$0x3FAE]  }
0x2a: {  	p0 =	seq.s32 s5, $0x0;
	s5 =	sld [smem:$0x3FAF]  }
0x2b: {  	s6 =	sld [smem:$0x3FB0]  }
0x2c: {  	s7 =	sld [smem:$0x3FB1]  }
0x2d: {  	s3 =	simm.s32 $0x108;
	s8 =	sld [smem:$0x3FB2]  }
0x2e: {  	s3 =	simm.s32 @!p0 $0x1082;
	s9 =	sld [smem:$0x3FB3]  }
0x2f: {  	lr =	sadd.s32 s0, s3;
	s0 =	sld [smem:$0x3FAA]  }
0x30: {  	s3 =	sld [smem:$0x3FAD]  }
0x31: {  	[smem:$0x3FB6] =	sst s10  }
0x32: {  	s10 =	sld [smem:$0x3FB4];
	_ =	sdelay $0x3  }
0x33: {  	p0 =	seq.s32 s10, $0x1;
	s10 =	sld [smem:$0x3FB6];
	_ =	sdelay $0x3  }
0x34: {  	[smem:$0x3FB6] =	sst s10  }
0x35: {  	s10 =	sld [smem:$0x3FB5];
	_ =	sdelay $0x3  }
0x36: {  	p1 =	seq.s32 s10, $0x1;
	s10 =	sld [smem:$0x3FB6];
	_ =	sdelay $0x3  }
0x37: {  	[smem:$0x3FB6] =	sst s10  }
0x38: {  	s10 =	sld [smem:$0x3FB7]  }
0x39: {  	_ = 	snop;
	(pc) =	sbr.ind lr, $3  }
0x3a: {  	_ = 	snop  }
0x3b: {  	_ = 	snop  }
0x3c: {  	p2 =	seq.s32 s10, $0x1;
	s10 =	sld [smem:$0x3FB6]  }
0x3d: {  	_ =	shalt  }
0x3e: {  	_ =	shalt  }
0x3f: {  	_ =	shalt  }
0x40: {  	_ =	shalt  }
0x41: {  	_ =	shalt  }
0x42: {  	_ =	shalt  }
0x43: {  	_ =	shalt  }
0x44: {  	_ =	shalt  }
0x45: {  	_ =	shalt  }
0x46: {  	_ =	shalt  }
0x47: {  	_ =	shalt  }
0x48: {  	_ =	shalt  }
0x49: {  	_ =	shalt  }
0x4a: {  	_ =	shalt  }
0x4b: {  	_ =	shalt  }
0x4c: {  	_ =	shalt  }
0x4d: {  	_ =	shalt  }
0x4e: {  	_ =	shalt  }
0x4f: {  	_ =	shalt  }
0x50: {  	_ =	shalt  }
0x51: {  	_ =	shalt  }
0x52: {  	_ =	shalt  }
0x53: {  	_ =	shalt  }
0x54: {  	_ =	shalt  }
0x55: {  	_ =	shalt  }
0x56: {  	_ =	shalt  }
0x57: {  	_ =	shalt  }
0x58: {  	_ =	shalt  }
0x59: {  	_ =	shalt  }
0x5a: {  	_ =	shalt  }
0x5b: {  	_ =	shalt  }
0x5c: {  	_ =	shalt  }
0x5d: {  	_ =	shalt  }
0x5e: {  	_ =	shalt  }
0x5f: {  	_ =	shalt  }
0x60: {  	_ =	shalt  }
0x61: {  	_ =	shalt  }
0x62: {  	_ =	shalt  }
0x63: {  	_ =	shalt  }
0x64: {  	_ =	shalt  }
0x65: {  	_ =	shalt  }
0x66: {  	_ =	shalt  }
0x67: {  	_ =	shalt  }
0x68: {  	_ =	shalt  }
0x69: {  	_ =	shalt  }
0x6a: {  	_ =	shalt  }
0x6b: {  	_ =	shalt  }
0x6c: {  	_ =	shalt  }
0x6d: {  	_ =	shalt  }
0x6e: {  	_ =	shalt  }
0x6f: {  	_ =	shalt  }
0x70: {  	_ =	shalt  }
0x71: {  	_ =	shalt  }
0x72: {  	_ =	shalt  }
0x73: {  	_ =	shalt  }
0x74: {  	_ =	shalt  }
0x75: {  	_ =	shalt  }
0x76: {  	_ =	shalt  }
0x77: {  	_ =	shalt  }
0x78: {  	_ =	shalt  }
0x79: {  	_ =	shalt  }
0x7a: {  	_ =	shalt  }
0x7b: {  	_ =	shalt  }
0x7c: {  	_ =	shalt  }
0x7d: {  	_ =	shalt  }
0x7e: {  	_ =	shalt  }
0x7f: {  	_ =	shalt  }
0x80: {  	_ =	shalt  }
0x81: {  	_ =	shalt  }
0x82: {  	_ =	shalt  }
0x83: {  	_ =	shalt  }
0x84: {  	_ =	shalt  }
0x85: {  	_ =	shalt  }
0x86: {  	_ =	shalt  }
0x87: {  	_ =	shalt  }
.Lfunc_end0:
.L_simem_size_0:
called_computation.1_lowered:
.L_overlay_start_0:
0x88: {  	s2 =	sld [smem:$0x3FD9]  }
0x89: {  	s3 =	sld [smem:$0x3FFE];
	_ =	sdelay $0x1  }
0x8a: {  	s1 =	srdreg.scid  }
0x8b: {  	s0 =	sand.u32 $0x1, s1  }
0x8c: {  	s17 =	sshll.u32 s0, $0xA;
	s2 =	sadd.s32 s3, s2  }
0x8d: {  	s2 =	sadd.s32 s2, s17  }
0x8e: {  	[smem:$0x3FC2] =	sst s2  }
0x8f: {  	_ = 	snop  }
0x90: {  	s2 =	sld [smem:$0x3FC9]  }
0x91: {  	s18 =	sld [smem:$0x3FC8]  }
0x92: {  	s4 =	sld [smem:$0x3FC5]  }
0x93: {  	s5 =	sld [smem:$0x3FC4]  }
0x94: {  	s6 =	sld [smem:$0x3FD0];
	(tm) =	ssettm $0x1  }
0x95: {  	s7 =	sld [smem:$0x3FFB];
	_ =	sdelay $0x3  }
0x96: {  	_ =	strace s7  }
0x97: {  	s7 =	sld [smem:$0x3FFC];
	_ =	sdelay $0x3  }
0x98: {  	_ =	strace s7  }
0x99: {  	s7 =	sld [smem:$0x3FFD];
	_ =	sdelay $0x3  }
0x9a: {  	_ =	strace s7  }
0x9b: {  	_ =	strace $0x8FFFFFFF  }
0x9c: {  	s19 =	sld [smem:$0x3FDB];
	_ =	sdelay $0x1  }
0x9d: {  	s8 =	simm.s32 $_scs_section_size  }
0x9e: {  	s9 =	simm.s32 $_size__tile_overlayer_lowered;
	s10 =	simm.s32 $_tile_overlayer_lowered  }
0x9f: {  	s22 =	simm.s32 $0x1BFF;
	s21 =	sshll.u32 s10, $0x1;
	s7 =	sadd.s32 s8, s19  }
0xa0: {  	s11 =	simm.s32 $0x0;
	s20 =	sshll.u32 s9, $0x1;
	s9 =	sadd.s32 s21, s7  }
0xa1: {  	[timem:s11], [sflag:s22] =	dma.local [hbm:s9], s20  }
0xa2: {  	_ =	swait.ge [sflag:s22], s20  }
0xa3: {  	s8 =	ssub.s32 $0x0, s20;
	[sflag:s22] =	ssyncset.done $0x0  }
0xa4: {  	[sflag:s22] =	ssyncadd.s32 s8;
	_ =	sdelay $0x1  }
0xa5: {  	s23 =	simm.s32 $0x1B8B  }
0xa6: {  	_ =	swait.ge [sflag:s23], $0x1  }
0xa7: {  	[sflag:s23] =	ssyncset.done $0x0  }
0xa8: {  	s25 =	simm.s32 $0x1B8E;
	s24 =	sld [smem:$0x3FFE];
	[sflag:s23] =	ssyncadd.s32 $0xFFFFFFFF  }
0xa9: {  	s26 =	simm.s32 $execute0_lowered;
	[smem:$0x3FD2] =	sst s25  }
0xaa: {  	s9 =	sshll.u32 s26, $0x1;
	_ =	strace $0x80000046;
	[dreg:$0x1] =	wrdreg $0xFFFFFFFF  }
0xab: {  	s28 =	simm.s32 $_size_execute0_lowered;
	s7 =	sadd.s32 s7, s9;
	[dreg:$0x0] =	wrdreg $0x0  }
0xac: {  	s9 =	sshll.u32 s28, $0x1;
	[dreg:$0x2] =	wrdreg s7  }
0xad: {  	[dreg:$0x3] =	wrdreg s9  }
0xae: {  	[dreg:$0x4] =	wrdreg $0xC0  }
0xaf: {  	_ =	task [dreg:s11], $0x5FFFF  }
0xb0: {  	[dreg:$0x1] =	wrdreg $0xFFFFFFFF  }
0xb1: {  	[dreg:$0x0] =	wrdreg $0x60  }
0xb2: {  	[dreg:$0x2] =	wrdreg s2  }
0xb3: {  	[dreg:$0x3] =	wrdreg s18  }
0xb4: {  	[dreg:$0x4] =	wrdreg s24  }
0xb5: {  	[dreg:$0x5] =	wrdreg s4  }
0xb6: {  	[dreg:$0x6] =	wrdreg s5  }
0xb7: {  	[dreg:$0x7] =	wrdreg s6  }
0xb8: {  	[dreg:$0x8] =	wrdreg $0x9  }
0xb9: {  	_ =	task.clear_ibuf [dreg:s11], $0x9FFFF;
	_ =	strace $0x90000046  }
0xba: {  	s29 =	simm.s32 $0x9;
	_ =	strace $0x80000048  }
0xbb: {  	_ =	swait.ge [sflag:s29], $0x1  }
0xbc: {  	[sflag:s29] =	ssyncadd.s32 $0xFFFFFFFF  }
0xbd: {  	_ =	strace $0x90000048  }
0xbe: {  	_ =	sfence  }
0xbf: {  	s30 =	sld [smem:$0x0];
	_ =	sdelay $0x2  }
0xc0: {  	s31 =	sshll.u32 s1, $0xD;
	s1 =	sshrl.u32 s1, $0x2  }
0xc1: {  	s3 =	sand.u32 $0x4000, s31;
	s1 =	sadd.s32 s1, s30  }
0xc2: {  	s0 =	sor.u32 s3, s0;
	s1 =	sshll.u32 s1, $0x11  }
0xc3: {  	s0 =	sor.u32 s1, s0  }
0xc4: {  	s0 =	sadd.s32 $0x8F2B, s0  }
0xc5: {  	[sflag:s0] =	ssyncadd.remote.s32 $0x1  }
0xc6: {  	_ =	sfence.sel $0xFFFF  }
0xc7: {  	[dreg:$0x0] =	wrdreg $0xFFFFFFFF;
	(pc) =	sbr.abs _section_cstart, $3  }
0xc8: {  	[dreg:$0x1] =	wrdreg $0xFFFFFFFF  }
0xc9: {  	_ =	task.clear_ibuf [dreg:s11], $0x2FFFF;
	_ =	strace $0x9FFFFFFF  }
0xca: {  	(tm) =	ssettm $0x7FFFFFFF  }
0xcb: {  	_ =	shalt  }
tec
execute0_lowered:
.L_overlay_start_1:
0x0: {  	(tag) =	ssettag $0x1  }
0x1: {  	s0 =	rddreg [dreg:$0x2];
	s7 =	simm.s32 $0x0;
	v0 =	vimm.s32 $0xEFCDAB89  }
0x2: {  	s1 =	srdreg.scid;
	s3 =	stileid.u32;
	v1 =	vimm.s32 $0x67452301;
	v2 =	vimm.s32 $0xDCFE98BA;
	v3 =	vimm.s32 $0x54761032;
	s14 =	simm.s32 $0x3  }
0x3: {  	v4 =	vimm.s32 $0xBA98FEDC;
	v5 =	vimm.s32 $0x32107654;
	s16 =	simm.s32 $0x200;
	s17 =	simm.s32 $0x2;
	s18 =	simm.s32 $0x80  }
0x4: {  	v6 =	vimm.s32 $0xFEDCBA98;
	s19 =	simm.s32 $0x400;
	s20 =	simm.s32 $0x8400;
	s21 =	simm.s32 $0x2400  }
0x5: {  	v7 =	vimm.s32 $0x76543210;
	s22 =	simm.s32 $0x280;
	s23 =	simm.s32 $0xA400;
	s24 =	simm.s32 $0x100;
	v0 =	vunpack.c.l.s4.s8 v0;
	v1 =	vunpack.c.l.s4.s8 v1  }
0x6: {  	s25 =	simm.s32 $0x4400;
	s28 =	simm.s32 $0xC400;
	s29 =	simm.s32 $0x180;
	v2 =	vunpack.c.l.s4.s8 v2;
	v3 =	vunpack.c.l.s4.s8 v3;
	v4 =	vunpack.c.l.s4.s8 v4  }
0x7: {  	s30 =	simm.s32 $0x6400;
	s31 =	simm.s32 $0x380;
	s6 =	simm.s32 $0x1;
	v5 =	vunpack.c.l.s4.s8 v5;
	v6 =	vunpack.c.l.s4.s8 v6;
	v7 =	vunpack.c.l.s4.s8 v7  }
0x8: {  	[smem:$0x7FF] =	sst s7;
	s1 =	sand.u32 $0x1, s1;
	s3 =	sshll.u32 s3, $0x1;
	v0 =	vunpack.c.0.s8.s32 v0;
	v1 =	vunpack.c.0.s8.s32 v1;
	v2 =	vunpack.c.0.s8.s32 v2  }
0x9: {  	s8 =	sadd.s32 $0xF42E00, s0;
	s9 =	sadd.s32 $0xA00, s0;
	s2 =	ssub.s32 $0x2, s1;
	v3 =	vunpack.c.0.s8.s32 v3;
	v4 =	vunpack.c.0.s8.s32 v4;
	v5 =	vunpack.c.0.s8.s32 v5  }
0xa: {  	_ =	strace $0x80000047;
	s1 =	sor.u32 s1, s3;
	s4 =	sshrl.u32 s2, $0x1;
	v0 =	vcombine.low v1, v0;
	v1 =	vunpack.c.0.s8.s32 v6  }
0xb: {  	s3 =	simm.s32 $0x10400;
	s10 =	smul.u32 $0x6400, s1;
	s26 =	ssub.s32 s2, s4;
	v2 =	vcombine.low v3, v2;
	v3 =	vcombine.low v5, v4;
	v4 =	vunpack.c.0.s8.s32 v7  }
0xc: {  	s11 =	smul.u32 $0x190000, s1;
	s2 =	simm.s32 $0x0;
	s0 =	smax.u32 s26, $0x1;
	v0 =	vand.u32 $0xF, v0;
	v5 =	vand.u32 $0xF, v1  }
0xd: {  	s26 =	simm.s32 $0x300;
	[dreg:$0x7] =	wrdreg s0;
	s0 =	simm.s32 $0xE400;
	v1 =	vand.u32 $0xF, v2;
	v2 =	vand.u32 $0xF, v3;
	v3 =	vcombine.low v5, v4  }
.LBB2_1:
0xe: {  	[dreg:$0x8] =	wrdreg s2  }
0xf: {  	s1 =	rddreg [dreg:$0x3];
	s12 =	simm.s32 $0x18400  }
0x10: {  	[tilespmem:s12], [sflag:$0x3] =	stream.linear.gather [hbm4b:s1+s7], $0x40, $0x38;
	[tilespmem:$0x18480] =	vst v63  }
0x11: {  	_ =	swait.ge [sflag:s14], $0x40  }
0x12: {  	[sflag:s14] =	ssyncset.done $0x0  }
0x13: {  	[sflag:s14] =	ssyncadd.s32 $0xFFFFFFC0  }
0x14: {  	s15 =	simm.s32 $0x18440;
	s13 =	rddreg [dreg:$0x4]  }
0x15: {  	[tilespmem:s15], [sflag:$0x3] =	stream.linear.gather [hbm4b:s13+s7], $0x40, $0x38;
	[tilespmem:$0x18480] =	vst v63  }
0x16: {  	_ =	swait.ge [sflag:s14], $0x40  }
0x17: {  	[sflag:s14] =	ssyncset.done $0x0  }
0x18: {  	[sflag:s14] =	ssyncadd.s32 $0xFFFFFFC0  }
0x19: {  	v4 =	vld [tilespmem:$0x18400]  }
0x1a: {  	v5 =	vld [tilespmem:$0x18410]  }
0x1b: {  	v6 =	vld [tilespmem:$0x18420]  }
0x1c: {  	v7 =	vld [tilespmem:$0x18430]  }
0x1d: {  	v11 =	vld [tilespmem:$0x18470]  }
0x1e: {  	v8 =	vld [tilespmem:$0x18440]  }
0x1f: {  	v9 =	vld [tilespmem:$0x18450]  }
0x20: {  	s13 =	simm.s32 $0x0;
	v10 =	vld [tilespmem:$0x18460]  }
.LBB2_2:
0x21: {  	s1 =	sshll.u32 s13, $0x9  }
0x22: {  	s1 =	sadd.s32 s10, s1  }
0x23: {  	s2 =	rddreg [dreg:$0x0];
	s1 =	sshrl.u32 s1, $0x3  }
0x24: {  	s4 =	simm.s32 $0x0;
	s15 =	rddreg [dreg:$0x1];
	s2 =	sadd.s32 s2, s1  }
0x25: {  	[tilespmem:s4], [sflag:$0x2] =	stream.linear.gather [hbm4b:s2+s4], $0x200, $0x38;
	[tilespmem:$0x18480] =	vst v63  }
0x26: {  	s1 =	sadd.s32 s15, s1  }
0x27: {  	[tilespmem:s16], [sflag:$0x2] =	stream.linear.gather [hbm4b:s1+s4], $0x200, $0x38;
	[tilespmem:$0x18480] =	vst v63  }
0x28: {  	_ =	swait.ge [sflag:s17], $0x200  }
0x29: {  	[sflag:s17] =	ssyncset.done $0x0  }
0x2a: {  	[sflag:s17] =	ssyncadd.s32 $0xFFFFFE00  }
0x2b: {  	_ =	swait.ge [sflag:s17], $0x200  }
0x2c: {  	[sflag:s17] =	ssyncset.done $0x0  }
0x2d: {  	[sflag:s17] =	ssyncadd.s32 $0xFFFFFE00  }
0x2e: {  	[tilespmem:s19], [sflag:$0x1] =	stream.indirect.gather [hbm4b:s8+s18], $0x40, s4, s18, $0xb8;
	[tilespmem:$0x18480] =	vst v63  }
0x2f: {  	_ = 	snop  }
0x30: {  	[tilespmem:s20], [sflag:$0x1] =	stream.indirect.gather [hbm4b:s9+s18], $0x40, s16, s18, $0xb8;
	[tilespmem:$0x18480] =	vst v63  }
0x31: {  	_ = 	snop  }
0x32: {  	[tilespmem:s21], [sflag:$0x1] =	stream.indirect.gather [hbm4b:s8+s18], $0x40, s18, s18, $0xb8;
	[tilespmem:$0x18480] =	vst v63  }
0x33: {  	_ = 	snop  }
0x34: {  	[tilespmem:s23], [sflag:$0x1] =	stream.indirect.gather [hbm4b:s9+s18], $0x40, s22, s18, $0xb8;
	[tilespmem:$0x18480] =	vst v63  }
0x35: {  	_ = 	snop  }
0x36: {  	[tilespmem:s25], [sflag:$0x1] =	stream.indirect.gather [hbm4b:s8+s18], $0x40, s24, s18, $0xb8;
	[tilespmem:$0x18480] =	vst v63  }
0x37: {  	_ = 	snop  }
0x38: {  	[tilespmem:s28], [sflag:$0x1] =	stream.indirect.gather [hbm4b:s9+s18], $0x40, s26, s18, $0xb8;
	[tilespmem:$0x18480] =	vst v63  }
0x39: {  	_ = 	snop  }
0x3a: {  	[tilespmem:s30], [sflag:$0x1] =	stream.indirect.gather [hbm4b:s8+s18], $0x40, s29, s18, $0xb8;
	[tilespmem:$0x18480] =	vst v63  }
0x3b: {  	_ = 	snop  }
0x3c: {  	[tilespmem:s0], [sflag:$0x1] =	stream.indirect.gather [hbm4b:s9+s18], $0x40, s31, s18, $0xb8;
	[tilespmem:$0x18480] =	vst v63  }
0x3d: {  	_ =	swait.ge [sflag:s6], $0x2000  }
0x3e: {  	[sflag:s6] =	ssyncset.done $0x0  }
0x3f: {  	[sflag:s6] =	ssyncadd.s32 $0xFFFFE000  }
0x40: {  	_ =	swait.ge [sflag:s6], $0x2000  }
0x41: {  	[sflag:s6] =	ssyncset.done $0x0  }
0x42: {  	[sflag:s6] =	ssyncadd.s32 $0xFFFFE000  }
0x43: {  	_ =	swait.ge [sflag:s6], $0x2000  }
0x44: {  	[sflag:s6] =	ssyncset.done $0x0  }
0x45: {  	[sflag:s6] =	ssyncadd.s32 $0xFFFFE000  }
0x46: {  	_ =	swait.ge [sflag:s6], $0x2000  }
0x47: {  	[sflag:s6] =	ssyncset.done $0x0  }
0x48: {  	[sflag:s6] =	ssyncadd.s32 $0xFFFFE000  }
0x49: {  	_ =	swait.ge [sflag:s6], $0x2000  }
0x4a: {  	[sflag:s6] =	ssyncset.done $0x0  }
0x4b: {  	[sflag:s6] =	ssyncadd.s32 $0xFFFFE000  }
0x4c: {  	_ =	swait.ge [sflag:s6], $0x2000  }
0x4d: {  	[sflag:s6] =	ssyncset.done $0x0  }
0x4e: {  	[sflag:s6] =	ssyncadd.s32 $0xFFFFE000  }
0x4f: {  	_ =	swait.ge [sflag:s6], $0x2000  }
0x50: {  	[sflag:s6] =	ssyncset.done $0x0  }
0x51: {  	[sflag:s6] =	ssyncadd.s32 $0xFFFFE000  }
0x52: {  	_ =	swait.ge [sflag:s6], $0x2000  }
0x53: {  	[sflag:s6] =	ssyncset.done $0x0  }
0x54: {  	s15 =	simm.s32 $0x0;
	[sflag:s6] =	ssyncadd.s32 $0xFFFFE000  }
0x55: {  	v12 =	vld [tilespmem:s15+$0x420]  }
0x56: {  	v13 =	vld [tilespmem:s15+$0x8420]  }
0x57: {  	v14 =	vld [tilespmem:s15+$0x400]  }
0x58: {  	v15 =	vld [tilespmem:s15+$0x8400]  }
0x59: {  	v16 =	vld [tilespmem:s15+$0x410]  }
0x5a: {  	v17 =	vld [tilespmem:s15+$0x8410]  }
0x5b: {  	v18 =	vld [tilespmem:s15+$0x430]  }
0x5c: {  	v19 =	vld [tilespmem:s15+$0x8430];
	_ =	sdelay $0x2  }
0x5d: {  	v14 =	vadd.f32 v15, v14;
	v15 =	vadd.f32 v17, v16  }
0x5e: {  	v16 =	vadd.f32 v13, v12  }
0x5f: {  	v13 =	vadd.f32 v19, v18;
	v12 =	vmul.f32 v14, v14;
	v17 =	vmul.f32 v15, v15  }
0x60: {  	v18 =	vadd.f32 v15, v14  }
0x61: {  	v19 =	vadd.f32 v13, v16;
	v12 =	vadd.f32 v17, v12;
	v17 =	vmul.f32 v16, v16;
	_ =	sdelay $0x1  }
0x62: {  	v18 =	vadd.f32 v19, v18;
	v12 =	vadd.f32 v17, v12;
	v17 =	vmul.f32 v13, v13;
	_ =	sdelay $0x1  }
0x63: {  	v12 =	vadd.f32 v17, v12;
	v17 =	vperm.xlane v18, v0;
	_ =	sdelay $0x1  }
0x64: {  	s12 =	simm.s32 $0x40;
	v17 =	vadd.f32 v18, v17;
	v18 =	vperm.xlane v12, v0  }
0x65: {  	v20 =	vld [tilespmem:s12+$0x8420]  }
0x66: {  	v21 =	vld [tilespmem:s12+$0x430];
	v12 =	vadd.f32 v12, v18;
	v18 =	vperm.xlane v17, v1  }
0x67: {  	v22 =	vld [tilespmem:s12+$0x400]  }
0x68: {  	v23 =	vld [tilespmem:s12+$0x8400];
	v17 =	vadd.f32 v17, v18;
	v18 =	vperm.xlane v12, v1  }
0x69: {  	v24 =	vld [tilespmem:s12+$0x410]  }
0x6a: {  	v26 =	vld [tilespmem:s12+$0x8430];
	v25 =	vperm.xlane v17, v2;
	v12 =	vadd.f32 v18, v12  }
0x6b: {  	v18 =	vld [tilespmem:s12+$0x8410]  }
0x6c: {  	v19 =	vld [tilespmem:s12+$0x420];
	v17 =	vadd.f32 v25, v17;
	v25 =	vperm.xlane v12, v2;
	_ =	sdelay $0x1  }
0x6d: {  	v27 =	vperm.xlane v17, v3;
	v12 =	vadd.f32 v25, v12  }
0x6e: {  	v22 =	vadd.f32 v23, v22  }
0x6f: {  	v18 =	vadd.f32 v18, v24;
	v17 =	vadd.f32 v27, v17;
	v23 =	vperm.xlane v12, v3  }
0x70: {  	v19 =	vadd.f32 v20, v19;
	v20 =	vmul.f32 v22, v22;
	v24 =	vadd.f32 v26, v21  }
0x71: {  	v21 =	vmul.f32 v18, v18;
	v17 =	vmul.f32 $1.562500000e-02, v17;
	v12 =	vadd.f32 v23, v12  }
0x72: {  	v26 =	vmul.f32 v19, v19;
	v25 =	vadd.f32 v24, v19;
	v23 =	vadd.f32 v18, v22  }
0x73: {  	v20 =	vadd.f32 v21, v20;
	v21 =	vmul.f32 v17, v17;
	v12 =	vmul.f32 $1.562500000e-02, v12  }
0x74: {  	v23 =	vadd.f32 v25, v23  }
0x75: {  	v25 =	vmul.f32 v24, v24;
	v20 =	vadd.f32 v26, v20;
	v12 =	vsub.f32 v12, v21  }
0x76: {  	v21 =	vperm.xlane v23, v0  }
0x77: {  	s4 =	simm.s32 $0x80;
	v20 =	vadd.f32 v25, v20;
	v12 =	vadd.f32 $9.999999960e-13, v12  }
0x78: {  	v31 =	vld [tilespmem:s4+$0x8400];
	v21 =	vadd.f32 v23, v21  }
0x79: {  	v32 =	vld [tilespmem:s4+$0x410];
	v23 =	vperm.xlane v20, v0;
	v27 =	vshra.s32 v12, $0x1;
	v28 =	vmul.f32 $5.000000000e-01, v12  }
0x7a: {  	v35 =	vld [tilespmem:s4+$0x8430];
	v29 =	vperm.xlane v21, v1;
	v27 =	vsub.s32 $0x5F3759DF, v27  }
0x7b: {  	v26 =	vld [tilespmem:s4+$0x8420];
	v20 =	vadd.f32 v20, v23;
	v30 =	vmul.f32 v27, v28  }
0x7c: {  	v25 =	vld [tilespmem:s4+$0x420];
	v21 =	vadd.f32 v21, v29  }
0x7d: {  	v23 =	vld [tilespmem:s4+$0x400];
	v29 =	vperm.xlane v20, v1;
	v30 =	vmul.f32 v27, v30  }
0x7e: {  	v12 =	vld [tilespmem:s4+$0x430];
	v34 =	vperm.xlane v21, v2  }
0x7f: {  	v33 =	vld [tilespmem:s4+$0x8410];
	v20 =	vadd.f32 v29, v20;
	v29 =	vsub.f32 $1.500000000e+00, v30  }
0x80: {  	v21 =	vadd.f32 v34, v21  }
0x81: {  	v30 =	vperm.xlane v20, v2;
	v27 =	vmul.f32 v27, v29  }
0x82: {  	v25 =	vadd.f32 v26, v25;
	v23 =	vadd.f32 v31, v23;
	v26 =	vperm.xlane v21, v3  }
0x83: {  	v12 =	vadd.f32 v35, v12;
	v20 =	vadd.f32 v30, v20;
	v30 =	vmul.f32 v27, v28  }
0x84: {  	v29 =	vadd.f32 v33, v32;
	v31 =	vmul.f32 v23, v23;
	v21 =	vadd.f32 v26, v21  }
0x85: {  	v43 =	vadd.f32 v12, v25;
	v42 =	vperm.xlane v20, v3;
	v30 =	vmul.f32 v30, v27  }
0x86: {  	v26 =	vadd.f32 v29, v23;
	v44 =	vmul.f32 v29, v29;
	v45 =	vmul.f32 $1.562500000e-02, v21  }
0x87: {  	v20 =	vadd.f32 v42, v20;
	v21 =	vsub.f32 $1.500000000e+00, v30  }
0x88: {  	v30 =	vadd.f32 v44, v31;
	v31 =	vmul.f32 v25, v25;
	v46 =	vmul.f32 v45, v45  }
0x89: {  	v20 =	vmul.f32 $1.562500000e-02, v20;
	v21 =	vmul.f32 v21, v27  }
0x8a: {  	v26 =	vadd.f32 v43, v26;
	v27 =	vadd.f32 v31, v30;
	v30 =	vmul.f32 v12, v12  }
0x8b: {  	v14 =	vsub.f32 v14, v17;
	v20 =	vsub.f32 v20, v46;
	v28 =	vmul.f32 v21, v28  }
0x8c: {  	v16 =	vsub.f32 v16, v17;
	v27 =	vadd.f32 v30, v27;
	v30 =	vperm.xlane v26, v0  }
0x8d: {  	s1 =	simm.s32 $0xC0;
	v31 =	vsub.f32 v15, v17;
	v15 =	vadd.f32 $9.999999960e-13, v20;
	v20 =	vmul.f32 v28, v21  }
0x8e: {  	v47 =	vld [tilespmem:s1+$0x8420];
	v13 =	vsub.f32 v13, v17;
	v26 =	vadd.f32 v26, v30;
	v30 =	vperm.xlane v27, v0  }
0x8f: {  	v36 =	vld [tilespmem:s1+$0x400];
	v48 =	vshra.s32 v15, $0x1;
	v49 =	vmul.f32 $5.000000000e-01, v15;
	v15 =	vsub.f32 $1.500000000e+00, v20  }
0x90: {  	v17 =	vld [tilespmem:s1+$0x8400];
	v27 =	vadd.f32 v27, v30;
	v30 =	vperm.xlane v26, v1;
	v33 =	vsub.s32 $0x5F3759DF, v48  }
0x91: {  	v40 =	vsub.f32 v22, v45;
	v28 =	vld [tilespmem:s1+$0x420];
	v37 =	vmul.f32 v33, v49;
	v21 =	vmul.f32 v15, v21  }
0x92: {  	v22 =	vadd.f32 v26, v30;
	v26 =	vperm.xlane v27, v1;
	v15 =	vsub.f32 v18, v45;
	v30 =	vld [tilespmem:s1+$0x410]  }
0x93: {  	v18 =	vsub.f32 v19, v45;
	v19 =	vld [tilespmem:s1+$0x8410];
	v37 =	vmul.f32 v33, v37;
	v13 =	vmul.f32 v21, v13  }
0x94: {  	v39 =	vld [tilespmem:s1+$0x8430];
	v38 =	vperm.xlane v22, v2;
	v26 =	vadd.f32 v26, v27;
	v27 =	vmul.f32 v21, v14  }
0x95: {  	v20 =	vld [tilespmem:s1+$0x430];
	v31 =	vmul.f32 v21, v31;
	v51 =	vmul.f32 v21, v16;
	v14 =	vsub.f32 $1.500000000e+00, v37  }
0x96: {  	v13 =	vmul.f32 v13, v7;
	v22 =	vadd.f32 v38, v22;
	v50 =	vperm.xlane v26, v2  }
0x97: {  	v16 =	vadd.f32 v17, v36;
	v58 =	vmul.f32 v27, v4;
	v21 =	vmul.f32 v33, v14  }
0x98: {  	v14 =	vadd.f32 v47, v28;
	v17 =	vadd.f32 v19, v30;
	v53 =	vperm.xlane v22, v3  }
0x99: {  	v52 =	vadd.f32 v13, v11;
	v26 =	vadd.f32 v50, v26;
	v19 =	vmul.f32 v21, v49  }
0x9a: {  	v28 =	vmul.f32 v16, v16;
	v13 =	vadd.f32 v39, v20;
	v20 =	vadd.f32 v53, v22  }
0x9b: {  	v22 =	vperm.xlane v26, v3;
	v19 =	vmul.f32 v19, v21  }
0x9c: {  	v30 =	vadd.f32 v17, v16;
	v54 =	vmul.f32 v17, v17;
	v20 =	vmul.f32 $1.562500000e-02, v20  }
0x9d: {  	v56 =	vmul.f32 v14, v14;
	v22 =	vadd.f32 v22, v26;
	v55 =	vsub.f32 $1.500000000e+00, v19  }
0x9e: {  	v28 =	vadd.f32 v54, v28;
	v26 =	vadd.f32 v13, v14;
	v57 =	vmul.f32 v20, v20  }
0x9f: {  	v22 =	vmul.f32 $1.562500000e-02, v22;
	v19 =	vsub.f32 v23, v20;
	v36 =	vmul.f32 v55, v21  }
0xa0: {  	v23 =	vadd.f32 v26, v30;
	v26 =	vadd.f32 v56, v28;
	v28 =	vmul.f32 v13, v13  }
0xa1: {  	v21 =	vsub.f32 v29, v20;
	v22 =	vsub.f32 v22, v57;
	v29 =	vmul.f32 v36, v49  }
0xa2: {  	v31 =	vmul.f32 v31, v5;
	v30 =	vperm.xlane v23, v0;
	v26 =	vadd.f32 v28, v26  }
0xa3: {  	s2 =	simm.s32 $0x100;
	[tilespmem:s15+$0x10430] =	vst v52;
	v27 =	vadd.f32 $9.999999960e-13, v22;
	v22 =	vsub.f32 v25, v20;
	v25 =	vmul.f32 v29, v36  }
0xa4: {  	v42 =	vmul.f32 v51, v6;
	v32 =	vld [tilespmem:s2+$0x400];
	v59 =	vadd.f32 v23, v30;
	v60 =	vperm.xlane v26, v0  }
0xa5: {  	v34 =	vld [tilespmem:s2+$0x8400];
	v61 =	vshra.s32 v27, $0x1;
	v23 =	vmul.f32 $5.000000000e-01, v27;
	v25 =	vsub.f32 $1.500000000e+00, v25  }
0xa6: {  	v38 =	vld [tilespmem:s2+$0x8410];
	v41 =	vadd.f32 v26, v60;
	v26 =	vperm.xlane v59, v1;
	v27 =	vsub.s32 $0x5F3759DF, v61  }
0xa7: {  	v24 =	vsub.f32 v24, v45;
	v28 =	vld [tilespmem:s2+$0x420];
	v62 =	vmul.f32 v27, v23;
	v25 =	vmul.f32 v25, v36  }
0xa8: {  	v33 =	vadd.f32 v58, v8;
	v30 =	vld [tilespmem:s2+$0x8420];
	v35 =	vadd.f32 v59, v26;
	v63 =	vperm.xlane v41, v1  }
0xa9: {  	v45 =	vadd.f32 v31, v9;
	v29 =	vld [tilespmem:s2+$0x430];
	v43 =	vmul.f32 v27, v62;
	v44 =	vmul.f32 v25, v24  }
0xaa: {  	v26 =	vadd.f32 v42, v10;
	v36 =	vld [tilespmem:s2+$0x410];
	[tilespmem:s15+$0x10400] =	vst v33;
	v39 =	vperm.xlane v35, v2;
	v37 =	vadd.f32 v63, v41  }
0xab: {  	s5 =	simm.s32 $0x500;
	v24 =	vmul.f32 v25, v40;
	v40 =	vld [tilespmem:s2+$0x8430];
	[tilespmem:s15+$0x10410] =	vst v45;
	v33 =	vsub.f32 $1.500000000e+00, v43;
	v31 =	vmul.f32 v44, v7  }
.LBB2_3:
0xac: {  	p0 =	sne.s32 s5, $0x1FF00;
	v35 =	vadd.f32 v39, v35;
	v39 =	vmul.f32 v25, v15;
	v25 =	vmul.f32 v25, v18;
	[tilespmem:s15+$0x10420] =	vst v26;
	s15 =	smov.u32 s12;
	s12 =	smov.u32 s4  }
0xad: {  	v15 =	vmovc v21;
	s4 =	smov.u32 s1;
	s1 =	smov.u32 s2;
	v26 =	vperm.xlane v37, v2;
	v27 =	vmul.f32 v27, v33;
	v31 =	vadd.f32 v31, v11  }
0xae: {  	v28 =	vadd.f32 v30, v28;
	v18 =	vmovc v22;
	v21 =	vadd.f32 v34, v32;
	v30 =	vperm.xlane v35, v3  }
0xaf: {  	v22 =	vadd.f32 v38, v36;
	v26 =	vadd.f32 v26, v37;
	v32 =	vmul.f32 v27, v23;
	[tilespmem:s15+$0x10430] =	vst v31  }
0xb0: {  	v31 =	vadd.f32 v40, v29;
	v29 =	vmul.f32 v21, v21;
	v30 =	vadd.f32 v30, v35  }
0xb1: {  	v33 =	vadd.f32 v22, v21;
	v34 =	vperm.xlane v26, v3;
	v32 =	vmul.f32 v32, v27  }
0xb2: {  	v36 =	vmul.f32 v22, v22;
	v35 =	vadd.f32 v31, v28;
	v37 =	vmul.f32 $1.562500000e-02, v30  }
0xb3: {  	v24 =	vmul.f32 v24, v4;
	v26 =	vadd.f32 v34, v26;
	v30 =	vsub.f32 $1.500000000e+00, v32  }
0xb4: {  	v29 =	vadd.f32 v36, v29;
	v32 =	vmul.f32 v28, v28;
	v34 =	vmul.f32 v37, v37  }
0xb5: {  	v41 =	vsub.f32 v16, v37;
	v16 =	vmovc v21;
	v26 =	vmul.f32 $1.562500000e-02, v26;
	v36 =	vmul.f32 v30, v27  }
0xb6: {  	v27 =	vadd.f32 v35, v33;
	v29 =	vadd.f32 v32, v29;
	v30 =	vmul.f32 v31, v31  }
0xb7: {  	v21 =	vsub.f32 v17, v37;
	v17 =	vmovc v22;
	v26 =	vsub.f32 v26, v34;
	v23 =	vmul.f32 v36, v23  }
0xb8: {  	v22 =	vsub.f32 v14, v37;
	v14 =	vmovc v28;
	v32 =	vadd.f32 v30, v29;
	v29 =	vperm.xlane v27, v0  }
0xb9: {  	s2 =	sshra.s32 s5, $0x2;
	v38 =	vmul.f32 v39, v5;
	v26 =	vadd.f32 $9.999999960e-13, v26;
	v33 =	vmul.f32 v23, v36  }
0xba: {  	v40 =	vmul.f32 v25, v6;
	v35 =	vadd.f32 v27, v29;
	v27 =	vperm.xlane v32, v0;
	v28 =	vld [tilespmem:s2+$0x420]  }
0xbb: {  	v30 =	vld [tilespmem:s2+$0x8420];
	v25 =	vshra.s32 v26, $0x1;
	v23 =	vmul.f32 $5.000000000e-01, v26;
	v26 =	vsub.f32 $1.500000000e+00, v33  }
0xbc: {  	v33 =	vadd.f32 v32, v27;
	v39 =	vperm.xlane v35, v1;
	v29 =	vld [tilespmem:s2+$0x430];
	v27 =	vsub.s32 $0x5F3759DF, v25  }
.Ltmp0:
0xbd: {  	v45 =	vsub.f32 v12, v20;
	v12 =	vmovc v13;
	v32 =	vld [tilespmem:s2+$0x400];
	v42 =	vmul.f32 v27, v23;
	v25 =	vmul.f32 v26, v36;
	(pc) =	sbr.rel @p0 .LBB2_3-.Ltmp0, $4  }
0xbe: {  	v13 =	vmovc v31;
	v35 =	vadd.f32 v35, v39;
	v43 =	vperm.xlane v33, v1;
	v26 =	vadd.f32 v24, v8;
	v34 =	vld [tilespmem:s2+$0x8400]  }
0xbf: {  	v44 =	vadd.f32 v38, v9;
	v20 =	vmovc v37;
	v36 =	vld [tilespmem:s2+$0x410];
	v31 =	vmul.f32 v27, v42;
	v42 =	vmul.f32 v25, v45  }
0xc0: {  	v39 =	vperm.xlane v35, v2;
	v24 =	vmul.f32 v25, v19;
	v38 =	vld [tilespmem:s2+$0x8410];
	[tilespmem:s15+$0x10400] =	vst v26;
	v26 =	vadd.f32 v40, v10  }
0xc1: {  	s5 =	sadd.s32 $0x100, s5;
	v37 =	vadd.f32 v43, v33;
	v19 =	vmovc v41;
	v40 =	vld [tilespmem:s2+$0x8430];
	v33 =	vsub.f32 $1.500000000e+00, v31;
	v31 =	vmul.f32 v42, v7;
	[tilespmem:s15+$0x10410] =	vst v44  }
0xc2: {  	_ =	sdelay $0x2  }
0xc3: {  	v32 =	vadd.f32 v34, v32;
	v34 =	vadd.f32 v38, v36  }
0xc4: {  	v28 =	vadd.f32 v30, v28  }
0xc5: {  	v57 =	vmul.f32 v32, v32;
	v29 =	vadd.f32 v40, v29;
	v36 =	vmul.f32 v34, v34  }
0xc6: {  	v38 =	vadd.f32 v34, v32  }
0xc7: {  	v58 =	vmul.f32 v28, v28;
	v40 =	vadd.f32 v29, v28;
	v30 =	vadd.f32 v36, v57;
	_ =	sdelay $0x1  }
0xc8: {  	v59 =	vmul.f32 v29, v29;
	v38 =	vadd.f32 v40, v38;
	v30 =	vadd.f32 v58, v30;
	_ =	sdelay $0x1  }
0xc9: {  	v60 =	vperm.xlane v38, v0;
	v30 =	vadd.f32 v59, v30;
	_ =	sdelay $0x1  }
0xca: {  	v36 =	vadd.f32 v38, v60;
	v61 =	vperm.xlane v30, v0;
	_ =	sdelay $0x1  }
0xcb: {  	v62 =	vperm.xlane v36, v1;
	v30 =	vadd.f32 v30, v61  }
0xcc: {  	v35 =	vadd.f32 v39, v35  }
0xcd: {  	v63 =	vperm.xlane v37, v2;
	v36 =	vadd.f32 v36, v62;
	v44 =	vperm.xlane v30, v1  }
0xce: {  	v45 =	vperm.xlane v35, v3  }
0xcf: {  	v37 =	vadd.f32 v63, v37;
	v46 =	vperm.xlane v36, v2;
	v30 =	vadd.f32 v44, v30  }
0xd0: {  	v35 =	vadd.f32 v45, v35  }
0xd1: {  	v47 =	vperm.xlane v37, v3;
	v36 =	vadd.f32 v46, v36;
	v48 =	vperm.xlane v30, v2  }
0xd2: {  	v35 =	vmul.f32 $1.562500000e-02, v35  }
0xd3: {  	v37 =	vadd.f32 v47, v37;
	v49 =	vperm.xlane v36, v3;
	v30 =	vadd.f32 v48, v30  }
0xd4: {  	v50 =	vmul.f32 v35, v35  }
0xd5: {  	v37 =	vmul.f32 $1.562500000e-02, v37;
	v36 =	vadd.f32 v49, v36;
	v51 =	vperm.xlane v30, v3;
	_ =	sdelay $0x1  }
0xd6: {  	v37 =	vsub.f32 v37, v50;
	v36 =	vmul.f32 $1.562500000e-02, v36;
	v30 =	vadd.f32 v51, v30;
	_ =	sdelay $0x1  }
0xd7: {  	v37 =	vadd.f32 $9.999999960e-13, v37;
	v52 =	vmul.f32 v36, v36;
	v30 =	vmul.f32 $1.562500000e-02, v30  }
0xd8: {  	v27 =	vmul.f32 v27, v33  }
0xd9: {  	v53 =	vshra.s32 v37, $0x1;
	v37 =	vmul.f32 $5.000000000e-01, v37;
	v30 =	vsub.f32 v30, v52  }
0xda: {  	v56 =	vmul.f32 v27, v23;
	v54 =	vsub.s32 $0x5F3759DF, v53  }
0xdb: {  	v55 =	vmul.f32 v54, v37;
	v30 =	vadd.f32 $9.999999960e-13, v30  }
0xdc: {  	v39 =	vmul.f32 v56, v27  }
0xdd: {  	v38 =	vmul.f32 v54, v55;
	v57 =	vshra.s32 v30, $0x1;
	v30 =	vmul.f32 $5.000000000e-01, v30  }
0xde: {  	v39 =	vsub.f32 $1.500000000e+00, v39;
	v40 =	vsub.s32 $0x5F3759DF, v57  }
0xdf: {  	v38 =	vsub.f32 $1.500000000e+00, v38;
	v41 =	vmul.f32 v40, v30  }
0xe0: {  	v27 =	vmul.f32 v39, v27  }
0xe1: {  	v33 =	vmul.f32 v54, v38;
	v58 =	vmul.f32 v40, v41  }
0xe2: {  	v15 =	vmul.f32 v25, v15;
	v60 =	vmul.f32 v27, v23  }
0xe3: {  	v18 =	vmul.f32 v25, v18;
	v59 =	vmul.f32 v33, v37;
	v38 =	vsub.f32 $1.500000000e+00, v58  }
0xe4: {  	v24 =	vmul.f32 v24, v4;
	v23 =	vmul.f32 v60, v27  }
0xe5: {  	v39 =	vmul.f32 v59, v33;
	v38 =	vmul.f32 v40, v38  }
0xe6: {  	v12 =	vsub.f32 v12, v20;
	v15 =	vmul.f32 v15, v5;
	v23 =	vsub.f32 $1.500000000e+00, v23  }
0xe7: {  	v18 =	vmul.f32 v18, v6;
	v62 =	vsub.f32 $1.500000000e+00, v39;
	v63 =	vmul.f32 v38, v30  }
0xe8: {  	v24 =	vadd.f32 v24, v8;
	v15 =	vadd.f32 v15, v9;
	v23 =	vmul.f32 v23, v27  }
0xe9: {  	v61 =	vadd.f32 v31, v11;
	v31 =	vmul.f32 v62, v33;
	v39 =	vmul.f32 v63, v38  }
0xea: {  	v18 =	vadd.f32 v18, v10;
	v16 =	vsub.f32 v16, v35  }
0xeb: {  	v12 =	vmul.f32 v23, v12;
	v40 =	vmul.f32 v31, v37;
	v20 =	vsub.f32 $1.500000000e+00, v39  }
0xec: {  	v17 =	vsub.f32 v17, v35;
	v19 =	vmul.f32 v23, v19;
	v21 =	vmul.f32 v23, v21  }
0xed: {  	v14 =	vsub.f32 v14, v35;
	v27 =	vmul.f32 v40, v31;
	v20 =	vmul.f32 v20, v38  }
0xee: {  	v13 =	vsub.f32 v13, v35;
	v22 =	vmul.f32 v23, v22;
	v12 =	vmul.f32 v12, v7  }
0xef: {  	v19 =	vmul.f32 v19, v4;
	v27 =	vsub.f32 $1.500000000e+00, v27;
	v41 =	vmul.f32 v20, v30  }
0xf0: {  	[tilespmem:s15+$0x10420] =	vst v26;
	v21 =	vmul.f32 v21, v5;
	v46 =	vmul.f32 v22, v6;
	v12 =	vadd.f32 v12, v11  }
0xf1: {  	[tilespmem:s12+$0x10400] =	vst v24;
	v19 =	vadd.f32 v19, v8;
	v42 =	vmul.f32 v27, v31;
	v23 =	vmul.f32 v41, v20  }
0xf2: {  	[tilespmem:s12+$0x10410] =	vst v15;
	v48 =	vadd.f32 v21, v9;
	v15 =	vadd.f32 v46, v10  }
0xf3: {  	[tilespmem:s12+$0x10420] =	vst v18;
	v43 =	vsub.f32 v32, v36;
	v13 =	vmul.f32 v42, v13;
	v47 =	vsub.f32 $1.500000000e+00, v23  }
0xf4: {  	[tilespmem:s12+$0x10430] =	vst v61;
	v44 =	vsub.f32 v34, v36;
	v16 =	vmul.f32 v42, v16;
	v49 =	vmul.f32 v42, v17  }
0xf5: {  	[tilespmem:s4+$0x10430] =	vst v12;
	v51 =	vsub.f32 v29, v36;
	v13 =	vmul.f32 v13, v7;
	v50 =	vmul.f32 v47, v20  }
0xf6: {  	[tilespmem:s4+$0x10400] =	vst v19;
	v45 =	vsub.f32 v28, v36;
	v14 =	vmul.f32 v42, v14;
	v16 =	vmul.f32 v16, v4  }
0xf7: {  	[tilespmem:s4+$0x10410] =	vst v48;
	v12 =	vmul.f32 v49, v5;
	v13 =	vadd.f32 v13, v11;
	v52 =	vmul.f32 v50, v51  }
0xf8: {  	[tilespmem:s4+$0x10420] =	vst v15;
	v14 =	vmul.f32 v14, v6;
	v53 =	vadd.f32 v16, v8;
	v54 =	vmul.f32 v50, v43  }
0xf9: {  	v12 =	vadd.f32 v12, v9;
	[tilespmem:s1+$0x10430] =	vst v13;
	v56 =	vmul.f32 v50, v44;
	v55 =	vmul.f32 v52, v7  }
0xfa: {  	v14 =	vadd.f32 v14, v10;
	[tilespmem:s1+$0x10400] =	vst v53;
	v57 =	vmul.f32 v50, v45;
	v16 =	vmul.f32 v54, v4  }
0xfb: {  	[tilespmem:s1+$0x10410] =	vst v12;
	v59 =	vmul.f32 v56, v5;
	v58 =	vadd.f32 v55, v11  }
0xfc: {  	[tilespmem:s1+$0x10420] =	vst v14;
	v60 =	vmul.f32 v57, v6;
	v61 =	vadd.f32 v16, v8  }
0xfd: {  	s12 =	sshll.u32 s13, $0xF;
	v62 =	vadd.f32 v59, v9;
	[tilespmem:s2+$0x10430] =	vst v58  }
0xfe: {  	s13 =	sadd.s32 $0x1, s13;
	s1 =	sadd.s32 s11, s12;
	v63 =	vadd.f32 v60, v10;
	[tilespmem:s2+$0x10400] =	vst v61  }
0xff: {  	s15 =	rddreg [dreg:$0x5];
	p0 =	sne.s32 s13, $0x32;
	s1 =	sshrl.u32 s1, $0x3;
	[tilespmem:s2+$0x10410] =	vst v62  }
.Ltmp1:
0x100: {  	s1 =	sadd.s32 s15, s1;
	[tilespmem:s2+$0x10420] =	vst v63;
	(pc) =	sbr.rel @p0 .LBB2_2-.Ltmp1, $4  }
0x101: {  	[hbm4b:s1+s7] =	stream.linear.scatter [tilespmem:s3], [sflag:$0x3], $0x8000, $0x38;
	[tilespmem:$0x18480] =	vst v63  }
0x102: {  	_ =	swait.ge [sflag:s14], $0x8000  }
0x103: {  	[sflag:s14] =	ssyncset.done $0x0  }
0x104: {  	[sflag:s14] =	ssyncadd.s32 $0xFFFF8000  }
0x105: {  	s2 =	rddreg [dreg:$0x8]  }
0x106: {  	s1 =	rddreg [dreg:$0x7];
	s2 =	sadd.s32 $0x1, s2  }
0x107: {  	p0 =	sne.s32 s2, s1  }
.Ltmp2:
0x108: {  	_ = 	snop;
	(pc) =	sbr.rel @p0 .LBB2_1-.Ltmp2, $1  }
0x109: {  	_ =	sdelay $0x3  }
0x10a: {  	_ =	sfence.sel $0x180000  }
0x10b: {  	[bflag:$0x0] =	sbarrier.arrive $0xFFFF  }
0x10c: {  	_ =	strace $0x90000047  }
0x10d: {  	s0 =	stileid.u32;
	[bflag:$0x2] =	sbarrier.arrive $0xFFFF  }
0x10e: {  	p0 =	sne.s32 s0, $0x0;
	s0 =	rddreg [dreg:$0x6]  }
0x10f: {  	s0 =	sadd.s32 @!p0 $0x100000, s0  }
0x110: {  	[sflag:s0] =	ssyncadd.tile.s32 @!p0 $0x1;
	_ =	shalt  }
.Lfunc_end2:
_tile_overlayer_lowered:
.L_overlay_start_2:
0x111: {  	(tag) =	ssettag $0x2  }
0x112: {  	s0 =	rddreg [dreg:$0x0];
	s2 =	stileid.u32  }
0x113: {  	s1 =	rddreg [dreg:$0x1];
	p0 =	sne.s32 s2, $0x0  }
0x114: {  	s3 =	rddreg [dreg:$0x2];
	[bflag:$0x3] =	sbarrier.arrive $0xFFFF;
	s2 =	simm.s32 @!p0 $0x1C03  }
0x115: {  	[timem:s3], [sflag:s2] =	dma.local @!p0 [hbm:s0], s1  }
0x116: {  	s0 =	simm.s32 @!p0 $0x3  }
0x117: {  	_ =	swait.ge @!p0 [sflag:s0], s1  }
0x118: {  	s1 =	ssub.s32 @!p0 $0x0, s1;
	[sflag:s0] =	ssyncset.done @!p0 $0x0  }
0x119: {  	[sflag:s0] =	ssyncadd.s32 @!p0 s1  }
0x11a: {  	[bflag:$0x3] =	sbarrier.arrive $0xFFFF  }
0x11b: {  	_ =	shalt  }

// kernel: sparse-core-data-format-call.cloned.1.call-start
scs
called_computation_lowered:
.L_overlay_start_0:
0x0: {  	s2 =	sld [smem:$0x3FD9]  }
0x1: {  	s3 =	sld [smem:$0x3FFE];
	_ =	sdelay $0x1  }
0x2: {  	s1 =	srdreg.scid  }
0x3: {  	s0 =	sand.u32 $0x1, s1  }
0x4: {  	s18 =	sshll.u32 s0, $0xA;
	s2 =	sadd.s32 s3, s2  }
0x5: {  	s2 =	sadd.s32 s2, s18  }
0x6: {  	[smem:$0x3FC2] =	sst s2  }
0x7: {  	_ = 	snop  }
0x8: {  	s2 =	sld [smem:$0x3FD0];
	(tm) =	ssettm $0x1  }
0x9: {  	s19 =	sld [smem:$0x3FFB];
	_ =	sdelay $0x3  }
0xa: {  	_ =	strace s19  }
0xb: {  	s3 =	sld [smem:$0x3FFC];
	_ =	sdelay $0x3  }
0xc: {  	_ =	strace s3  }
0xd: {  	s3 =	sld [smem:$0x3FFD];
	_ =	sdelay $0x3  }
0xe: {  	_ =	strace s3  }
0xf: {  	_ =	strace $0x8FFFFFFF  }
0x10: {  	s20 =	sld [smem:$0x3FDB];
	_ =	sdelay $0x1  }
0x11: {  	s4 =	simm.s32 $_scs_section_size  }
0x12: {  	s5 =	simm.s32 $_size__tile_overlayer_lowered;
	s6 =	simm.s32 $_tile_overlayer_lowered  }
0x13: {  	s23 =	simm.s32 $0x1BFF;
	s22 =	sshll.u32 s6, $0x1;
	s3 =	sadd.s32 s4, s20  }
0x14: {  	s7 =	simm.s32 $0x0;
	s21 =	sshll.u32 s5, $0x1;
	s5 =	sadd.s32 s22, s3  }
0x15: {  	[timem:s7], [sflag:s23] =	dma.local [hbm:s5], s21  }
0x16: {  	_ =	swait.ge [sflag:s23], s21  }
0x17: {  	s4 =	ssub.s32 $0x0, s21;
	[sflag:s23] =	ssyncset.done $0x0  }
0x18: {  	[sflag:s23] =	ssyncadd.s32 s4;
	_ =	sdelay $0x1  }
0x19: {  	s24 =	simm.s32 $0x1B8B  }
0x1a: {  	_ =	swait.ge [sflag:s24], $0x1  }
0x1b: {  	[sflag:s24] =	ssyncset.done $0x0  }
0x1c: {  	s26 =	simm.s32 $0x1B8E;
	s25 =	sld [smem:$0x3FFE];
	[sflag:s24] =	ssyncadd.s32 $0xFFFFFFFF  }
0x1d: {  	s27 =	simm.s32 $execute0_lowered;
	[smem:$0x3FD2] =	sst s26  }
0x1e: {  	s5 =	sshll.u32 s27, $0x1;
	_ =	strace $0x80000049;
	[dreg:$0x1] =	wrdreg $0xFFFFFFFF  }
0x1f: {  	s28 =	simm.s32 $_size_execute0_lowered;
	s3 =	sadd.s32 s3, s5;
	[dreg:$0x0] =	wrdreg $0x0  }
0x20: {  	s5 =	sshll.u32 s28, $0x1;
	[dreg:$0x2] =	wrdreg s3  }
0x21: {  	[dreg:$0x3] =	wrdreg s5  }
0x22: {  	[dreg:$0x4] =	wrdreg $0xC0  }
0x23: {  	_ =	task [dreg:s7], $0x5FFFF  }
0x24: {  	[dreg:$0x1] =	wrdreg $0xFFFFFFFF  }
0x25: {  	[dreg:$0x0] =	wrdreg $0x60  }
0x26: {  	[dreg:$0x2] =	wrdreg s25  }
0x27: {  	[dreg:$0x3] =	wrdreg s2  }
0x28: {  	[dreg:$0x4] =	wrdreg $0x9  }
0x29: {  	_ =	task.clear_ibuf [dreg:s7], $0x5FFFF;
	_ =	strace $0x90000049  }
0x2a: {  	s29 =	simm.s32 $0x9;
	_ =	strace $0x8000004B  }
0x2b: {  	_ =	swait.ge [sflag:s29], $0x1  }
0x2c: {  	[sflag:s29] =	ssyncadd.s32 $0xFFFFFFFF  }
0x2d: {  	_ =	strace $0x9000004B  }
0x2e: {  	_ =	sfence  }
0x2f: {  	s30 =	sld [smem:$0x0];
	_ =	sdelay $0x2  }
0x30: {  	s31 =	sshll.u32 s1, $0xD;
	s1 =	sshrl.u32 s1, $0x2  }
0x31: {  	s3 =	sand.u32 $0x4000, s31;
	s1 =	sadd.s32 s1, s30  }
0x32: {  	s0 =	sor.u32 s3, s0;
	s1 =	sshll.u32 s1, $0x11  }
0x33: {  	s0 =	sor.u32 s1, s0  }
0x34: {  	s0 =	sadd.s32 $0x8F2B, s0  }
0x35: {  	[sflag:s0] =	ssyncadd.remote.s32 $0x1  }
0x36: {  	_ =	sfence.sel $0xFFFF  }
0x37: {  	[dreg:$0x0] =	wrdreg $0xFFFFFFFF;
	(pc) =	sbr.abs _section_cstart, $3  }
0x38: {  	[dreg:$0x1] =	wrdreg $0xFFFFFFFF  }
0x39: {  	_ =	task.clear_ibuf [dreg:s7], $0x2FFFF;
	_ =	strace $0x9FFFFFFF  }
0x3a: {  	(tm) =	ssettm $0x7FFFFFFF  }
0x3b: {  	_ =	shalt  }
tec
execute0_lowered:
.L_overlay_start_1:
0x0: {  	(tag) =	ssettag $0x1  }
0x1: {  	s0 =	srdreg.scid  }
0x2: {  	s1 =	sshll.u32 s0, $0x4  }
0x3: {  	s4 =	rddreg [dreg:$0x0];
	s0 =	stileid.u32;
	s1 =	sand.u32 $0x10, s1  }
0x4: {  	s2 =	rddreg [dreg:$0x1];
	s7 =	simm.s32 $0x1;
	s1 =	sor.u32 s0, s1  }
0x5: {  	s8 =	simm.s32 $0x2;
	s11 =	simm.s32 $0x0;
	s3 =	sshll.u32 s1, $0x7  }
0x6: {  	s10 =	simm.s32 $0x0;
	s4 =	sadd.s32 $0xA00, s4;
	s6 =	ssub.s32 $0xC8000, s3  }
.Ltmp0:
0x7: {  	s1 =	rddreg [dreg:$0x2];
	s5 =	sand.u32 $0xF80, s6;
	(pc) =	sbr.rel .LBB1_1-.Ltmp0, $4  }
0x8: {  	_ =	strace $0x8000004A;
	s9 =	smov.u32 s3;
	p0 =	sne.s32 s5, $0x0  }
0x9: {  	s6 =	sshrl.u32 s6, $0xC;
	s5 =	simm.s32 $0x1;
	s7 =	simm.s32 @!p0 $0x0  }
0xa: {  	[sflag:s5] =	ssyncpa.u1 $0x0;
	p0 =	por $0x0, $0x0;
	s6 =	sadd.s32 s7, s6  }
0xb: {  	[sflag:s8] =	ssyncpa.u1 $0x0;
	s8 =	simm.s32 $0x640000;
	s7 =	sadd.s32 $0x1, s6  }
.LBB1_4:
0xc: {  	s14 =	sshll.u32 s11, $0x3  }
0xd: {  	s30 =	sand.u32 $0x7F, s11;
	s15 =	sand.u32 $0xFFFFFC00, s14  }
0xe: {  	s11 =	sor.u32 s30, s15  }
0xf: {  	s15 =	smulhi.u32 $0x51EB851F, s11  }
0x10: {  	s14 =	smulhi.u32 $0x51EB851F, s14  }
0x11: {  	s15 =	sshrl.u32 s15, $0x12  }
0x12: {  	s14 =	sshrl.u32 s14, $0x12;
	s15 =	smul.u32 $0xC8000, s15  }
0x13: {  	s14 =	sand.u32 $0x3F, s14  }
0x14: {  	s14 =	smul.u32 $0x19000, s14;
	s11 =	ssub.s32 s11, s15  }
0x15: {  	[tilespmem:s13+$0x810 ss:$0x81] =	vst.msk $0xffff, v2;
	s15 =	sand.u32 $0x7, s11  }
0x16: {  	[tilespmem:s13+$0x1020 ss:$0x81] =	vst.msk $0xffff, v0;
	s14 =	sadd.s32 s2, s14;
	s11 =	sshrl.u32 s11, $0x3;
	s15 =	sshll.u32 s15, $0x12  }
0x17: {  	[tilespmem:s13+$0x0 ss:$0x81] =	vst.msk $0xffff, v1;
	s11 =	sadd.s32 s11, s14;
	s31 =	sor.u32 $0x400, s15  }
0x18: {  	[hbm4b:s11+s31] =	stream.strided.scatter [tilespmem:s12], [sflag:$0x2], $0x2000, s8, s31, $0x20;
	[tilespmem:$0x8080] =	vst v63  }
.LBB1_5:
0x19: {  	s13 =	sadd.s32 $0x1000, s9  }
0x1a: {  	p2 =	sgt.s32 s13, $0xC7FFF  }
0x1b: {  	s13 =	smov.u32 @p2 s3;
	p2 =	sne.s32 s10, s7  }
.Ltmp1:
0x1c: {  	p1 =	slt.u32 s10, $0x2;
	(pc) =	sbr.rel @!p2 .LBB1_6-.Ltmp1, $4  }
0x1d: {  	s12 =	simm.s32 @!p1 $0x2  }
0x1e: {  	s14 =	sadd.s32 $0x1, s10;
	_ =	swait.ge @!p1 [sflag:s12], $0x2000  }
0x1f: {  	s11 =	smov.u32 s9;
	p0 =	por !p0, !p0;
	[sflag:s12] =	ssyncset.done @!p1 $0x0  }
0x20: {  	s10 =	smov.u32 s14;
	s9 =	smov.u32 s13;
	[sflag:s12] =	ssyncadd.s32 @!p1 $0xFFFFE000  }
.LBB1_1:
0x21: {  	p1 =	sge.u32 s10, s6  }
0x22: {  	s12 =	sand.u32 @!p1 $0x1FFFFFF, s9  }
0x23: {  	s13 =	smulhi.u32 @!p1 $0x147AE15, s12;
	_ =	sdelay $0x1  }
0x24: {  	s13 =	sshrl.u32 @!p1 s13, $0xC  }
0x25: {  	s13 =	smul.u32 @!p1 $0xC8000, s13;
	_ =	sdelay $0x1  }
0x26: {  	s31 =	sadd.s32 $0xFFFFFFFF, s10;
	s14 =	sxor.u32 @!p1 $0xFFFFFFFF, s10;
	s12 =	ssub.s32 @!p1 s12, s13  }
0x27: {  	s15 =	simm.s32 @!p1 $0x80;
	s14 =	sshll.u32 @!p1 s14, $0xD;
	s12 =	sshll.u32 @!p1 s12, $0x4  }
0x28: {  	s13 =	sand.u32 @!p1 $0x2000, s14;
	s14 =	simm.s32 @!p1 $0x40;
	s12 =	sadd.s32 @!p1 s4, s12  }
0x29: {  	[tilespmem:s13], [sflag:$0x1] =	stream.strided.gather @!p1 [hbm4b:s12+s14], $0x2000, s15, s14, $0x38;
	[tilespmem:$0x8080] =	vst v63  }
0x2a: {  	p1 =	sge.u32 s31, s6  }
.Ltmp2:
0x2b: {  	_ = 	snop;
	(pc) =	sbr.rel @p1 .LBB1_5-.Ltmp2, $1  }
0x2c: {  	_ =	sdelay $0x3  }
0x2d: {  	s12 =	simm.s32 $0x1  }
0x2e: {  	_ =	swait.ge [sflag:s5], $0x2000;
	s12 =	simm.s32 @!p0 $0x0  }
0x2f: {  	[sflag:s5] =	ssyncset.done $0x0;
	s13 =	sshll.u32 s12, $0xD  }
0x30: {  	[sflag:s5] =	ssyncadd.s32 $0xFFFFE000;
	s16 =	sor.u32 $0x20, s13  }
0x31: {  	s12 =	smul.u32 $0x8100, s12;
	v3 =	vld [tilespmem:s16+$0x10]  }
0x32: {  	s30 =	sand.u32 $0x1, s10;
	v2 =	vld [tilespmem:s16+$0xFFFFFFF0]  }
0x33: {  	s13 =	smul.u32 $0x8100, s30;
	s12 =	sshrl.u32 s12, $0x2;
	v0 =	vld [tilespmem:s16+$0x0]  }
0x34: {  	v1 =	vld [tilespmem:s16+$0xFFFFFFE0];
	s14 =	sor.u32 $0x4000, s12  }
0x35: {  	s31 =	sshrl.u32 s13, $0x2;
	s13 =	sadd.s32 $0x0, s14  }
0x36: {  	s15 =	simm.s32 $0x4;
	s16 =	sadd.s32 $0x40, s16;
	s12 =	sor.u32 $0x4000, s31;
	[tilespmem:s13+$0x1830 ss:$0x81] =	vst.msk $0xffff, v3  }
.LBB1_3:
0x37: {  	v3 =	vld [tilespmem:s16+$0x10];
	p1 =	sne.s32 s15, $0x1FC;
	[tilespmem:s13+$0x810 ss:$0x81] =	vst.msk $0xffff, v2;
	s17 =	smov.u32 s15;
	s15 =	sadd.s32 $0x4, s15  }
.Ltmp3:
0x38: {  	v2 =	vld [tilespmem:s16+$0xFFFFFFF0];
	[tilespmem:s13+$0x1020 ss:$0x81] =	vst.msk $0xffff, v0;
	(pc) =	sbr.rel @p1 .LBB1_3-.Ltmp3, $4  }
0x39: {  	v0 =	vld [tilespmem:s16+$0x0];
	[tilespmem:s13+$0x0 ss:$0x81] =	vst.msk $0xffff, v1  }
0x3a: {  	s13 =	sshra.s32 s17, $0x2;
	v1 =	vld [tilespmem:s16+$0xFFFFFFE0]  }
0x3b: {  	s13 =	sadd.s32 s13, s14  }
0x3c: {  	s16 =	sadd.s32 $0x40, s16;
	[tilespmem:s13+$0x1830 ss:$0x81] =	vst.msk $0xffff, v3  }
.Ltmp4:
0x3d: {  	_ = 	snop;
	(pc) =	sbr.rel .LBB1_4-.Ltmp4, $1  }
0x3e: {  	_ =	sdelay $0x3  }
.LBB1_6:
0x3f: {  	_ =	sfence.sel $0x180000  }
0x40: {  	s2 =	simm.s32 $0x1;
	[bflag:$0x0] =	sbarrier.arrive $0xFFFF  }
0x41: {  	s31 =	simm.s32 $0x2;
	[sflag:s2] =	ssyncpa.u1 $0x1  }
0x42: {  	[sflag:s31] =	ssyncpa.u1 $0x1  }
0x43: {  	p0 =	sne.s32 s0, $0x0;
	_ =	strace $0x9000004A  }
0x44: {  	s0 =	sadd.s32 @!p0 $0x100000, s1;
	[bflag:$0x2] =	sbarrier.arrive $0xFFFF  }
0x45: {  	[sflag:s0] =	ssyncadd.tile.s32 @!p0 $0x1;
	_ =	shalt  }
.Lfunc_end1:
_tile_overlayer_lowered:
.L_overlay_start_2:
0x46: {  	(tag) =	ssettag $0x2  }
0x47: {  	s0 =	rddreg [dreg:$0x0];
	s2 =	stileid.u32  }
0x48: {  	s1 =	rddreg [dreg:$0x1];
	p0 =	sne.s32 s2, $0x0  }
0x49: {  	s3 =	rddreg [dreg:$0x2];
	[bflag:$0x3] =	sbarrier.arrive $0xFFFF;
	s2 =	simm.s32 @!p0 $0x1C01  }
0x4a: {  	[timem:s3], [sflag:s2] =	dma.local @!p0 [hbm:s0], s1  }
0x4b: {  	s0 =	simm.s32 @!p0 $0x1  }
0x4c: {  	_ =	swait.ge @!p0 [sflag:s0], s1  }
0x4d: {  	s1 =	ssub.s32 @!p0 $0x0, s1;
	[sflag:s0] =	ssyncset.done @!p0 $0x0  }
0x4e: {  	[sflag:s0] =	ssyncadd.s32 @!p0 s1  }
0x4f: {  	[bflag:$0x3] =	sbarrier.arrive $0xFFFF  }
0x50: {  	_ =	shalt  }

</sc_bundles>
